<compile_context>
chip_gen: v7x
topology: tpu7x:2x2x1
jax: 0.10.2.dev20260603
libtpu: 0.0.44.dev20260713+nightly
codegen_flags: <defaults>
</compile_context>

<pallas_src>
import functools

import jax
import jax.numpy as jnp
from jax import lax
from jax.experimental import pallas as pl
from jax.experimental.pallas import tpu as pltpu
from jax.experimental.pallas import tpu_sc as plsc

_D = 64
_NC = 2
_NS = 16
_NW = _NC * _NS

_CHUNK = 1280

_TB = 25600
_LNR = 6400


def _tc_table_pairs(tok_t):
    d, v = tok_t.shape
    nblk = -(-v // _TB)
    h = _TB // 2

    def body(x_ref, o_ref):
        xt = jnp.transpose(x_ref[...])
        o_ref[:, :d] = xt[:h, :]
        o_ref[:, d:] = xt[h:, :]

    return pl.pallas_call(
        body,
        grid=(nblk,),
        in_specs=[pl.BlockSpec((d, _TB), lambda i: (0, i))],
        out_specs=pl.BlockSpec((h, 2 * d), lambda i: (i, 0)),
        out_shape=jax.ShapeDtypeStruct((nblk * h, 2 * d), jnp.float32),
    )(tok_t)


def _sc_gather(ids2d, tok_lin):
    n128, lanes = ids2d.shape
    n = n128 * lanes
    rows_per_w = n // _NW
    chunks = rows_per_w // _CHUNK
    streams = _CHUNK // lanes
    idx_rows_per_w = rows_per_w // lanes
    mesh = plsc.VectorSubcoreMesh(core_axis_name="c", subcore_axis_name="s")

    @functools.partial(
        pl.kernel,
        mesh=mesh,
        out_type=jax.ShapeDtypeStruct((n, _D), jnp.float32),
        compiler_params=pltpu.CompilerParams(use_tc_tiling_on_sc=False),
        scratch_types=[
            pltpu.VMEM((_CHUNK // 128, 128), jnp.int32),
            pltpu.VMEM((_CHUNK, _D), jnp.float32),
            pltpu.SemaphoreType.DMA,
        ],
    )
    def k(ids_hbm, tok_hbm, out_hbm, idx_v, rows_v, sem):
        wid = lax.axis_index("s") * _NC + lax.axis_index("c")
        idx_base = wid * idx_rows_per_w
        row_base = wid * rows_per_w

        def body(c, carry):
            pltpu.sync_copy(ids_hbm.at[pl.ds(idx_base + c * streams,
                                             streams)], idx_v)
            cps = [
                pltpu.async_copy(tok_hbm.at[idx_v.at[j]],
                                 rows_v.at[pl.ds(j * lanes, lanes)], sem)
                for j in range(streams)
            ]
            for cp in cps:
                cp.wait()
            pltpu.sync_copy(rows_v,
                            out_hbm.at[pl.ds(row_base + c * _CHUNK, _CHUNK)])
            return carry

        lax.fori_loop(0, chunks, body, 0)

    return k(ids2d, tok_lin)


def _tc_ln_pairs(g_pairs, pos_big, scale, gamma2, beta2):
    npair = g_pairs.shape[0]
    nb = _LNR // 100

    def body(z_ref, p_ref, s_ref, gm_ref, bt_ref, o_ref):
        s = s_ref[0, 0]
        gm = gm_ref[...]
        bt = bt_ref[...]
        y = (z_ref[...] + p_ref[...]) * s

        def norm(x):
            mean = jnp.mean(x, axis=-1, keepdims=True)
            cen = x - mean
            var = jnp.mean(cen * cen, axis=-1, keepdims=True)
            return cen * lax.rsqrt(var + 1e-6) * gm + bt

        na = norm(y[:, :_D]).reshape(nb, 100, _D)
        nbv = norm(y[:, _D:]).reshape(nb, 100, _D)
        o_ref[...] = jnp.concatenate([na, nbv], axis=1).reshape(2 * _LNR, _D)

    return pl.pallas_call(
        body,
        grid=(npair // _LNR,),
        in_specs=[
            pl.BlockSpec((_LNR, 2 * _D), lambda i: (i, 0)),
            pl.BlockSpec((_LNR, 2 * _D), lambda i: (0, 0)),
            pl.BlockSpec(memory_space=pltpu.SMEM),
            pl.BlockSpec((1, _D), lambda i: (0, 0)),
            pl.BlockSpec((1, _D), lambda i: (0, 0)),
        ],
        out_specs=pl.BlockSpec((2 * _LNR, _D), lambda i: (i, 0)),
        out_shape=jax.ShapeDtypeStruct((2 * npair, _D), jnp.float32),
    )(g_pairs, pos_big, scale, gamma2, beta2)


def kernel(input_ids, tok, pos, embed_scale, gamma, beta):
    bc, tc = input_ids.shape
    half = tc // 2
    ids_lin = input_ids.astype(jnp.int32).reshape(-1)
    ids_perm = ids_lin.reshape(bc, 2, half).transpose(0, 2, 1)
    hb = _TB // 2
    blk = ids_perm // _TB
    q = ids_perm - blk * _TB
    qm = jnp.where(q < hb, q, q - hb)
    ids_f = blk * _TB + 2 * qm + (q >= hb).astype(jnp.int32)
    ids2d = ids_f.reshape(-1, 128)

    tok_pairs = _tc_table_pairs(tok.T)
    tok_lin = tok_pairs.reshape(-1, _D)

    g = _sc_gather(ids2d, tok_lin)
    g_pairs = g.reshape(-1, 2 * _D)

    pos_lr = jnp.concatenate([pos[:half], pos[half:tc]], axis=1)
    pos_big = jnp.tile(pos_lr, (_LNR // half, 1))

    out = _tc_ln_pairs(g_pairs, pos_big,
                       embed_scale.reshape(1, 1).astype(jnp.float32),
                       gamma.reshape(1, _D), beta.reshape(1, _D))
    return out.reshape(bc, tc, _D)

# --- scband reference (transcript-rebuilt; emitter-appended) ---
"""Pipeline reference for scband-text-embedding-v2-62362925138825 (READ-ONLY COPY).

The authoritative reference and input builder live on the scoring server;
editing this copy changes nothing except your own understanding.
"""

import jax, jax.numpy as jnp
import numpy as np
import math

V = 1000000
D = 64
MAXLEN = 2048
B = 4096
T = 200
PAD = 0

def setup_inputs(seed: int = 0) -> dict:
    key = jax.random.key(seed)
    k_ids, k_tok, k_pos = jax.random.split(key, 3)
    input_ids = jax.random.randint(k_ids, (B, T), 0, V, dtype=jnp.int64) if jax.config.jax_enable_x64 else jax.random.randint(k_ids, (B, T), 0, V, dtype=jnp.int32)
    # token embedding: xavier_uniform gain=1.0 over [V, D]
    a_tok = math.sqrt(6.0 / (V + D))
    tok = jax.random.uniform(k_tok, (V, D), minval=-a_tok, maxval=a_tok, dtype=jnp.float32)
    tok = tok.at[PAD].set(0.0)
    # learned positional embedding: xavier_uniform gain=0.1 over [MAXLEN, D]
    a_pos = 0.1 * math.sqrt(6.0 / (MAXLEN + D))
    pos = jax.random.uniform(k_pos, (MAXLEN, D), minval=-a_pos, maxval=a_pos, dtype=jnp.float32)
    embed_scale = jnp.asarray(math.sqrt(D), dtype=jnp.float32)
    gamma = jnp.ones((D,), dtype=jnp.float32)
    beta = jnp.zeros((D,), dtype=jnp.float32)
    return {"input_ids": input_ids, "tok": tok, "pos": pos, "embed_scale": embed_scale, "gamma": gamma, "beta": beta}

def _layer_norm(x, gamma, beta, eps=1e-6):
    mean = jnp.mean(x, axis=-1, keepdims=True)
    var = jnp.mean(jnp.square(x - mean), axis=-1, keepdims=True)
    return (x - mean) / jnp.sqrt(var + eps) * gamma + beta

def reference(input_ids, tok, pos, embed_scale, gamma, beta):
    Bc, Tc = input_ids.shape
    x = jnp.take(tok, input_ids, axis=0)            # [B, T, D] gather
    pos_emb = pos[:Tc]                               # [T, D]
    x = x + pos_emb[None, :, :]
    x = x * embed_scale
    x = _layer_norm(x, gamma, beta, eps=1e-6)
    return x

if __name__ == "__main__":
    import jax
    _d = setup_inputs()
    print(jax.jit(kernel)(*tuple(_d.values())))

</pallas_src>

<mosaic_0001>
#map = affine_map<(d0, d1) -> (0, 0)>
module attributes {stable_mosaic.version = 14 : i64} {
  func.func @k(%arg0: i32, %arg1: i32, %arg2: memref<6400x128xi32, #tpu.memory_space<hbm>>, %arg3: memref<1024000x64xf32, #tpu.memory_space<hbm>>, %arg4: memref<819200x64xf32, #tpu.memory_space<hbm>>, %arg5: memref<10x128xi32, #tpu.memory_space<vmem>>, %arg6: memref<1280x64xf32, #tpu.memory_space<vmem>>, %arg7: memref<!tpu.dma_semaphore, #tpu.memory_space<semaphore_mem>>) attributes {dimension_semantics = [#tpu.dimension_semantics<core_parallel>, #tpu.dimension_semantics<subcore_parallel>], iteration_bounds = array<i64: 2, 16>, scalar_prefetch = 0 : i64, scratch_operands = 3 : i64, tpu.core_type = #tpu.core_type<sc_vector_subcore>, window_params = [{transform_indices = #map}, {transform_indices = #map}, {transform_indices = #map}]} {
    %mul3A = arith.constant 2 : i32
    %mul3A_0 = arith.muli %arg1, %mul3A : i32
    %add3A = arith.addi %mul3A_0, %arg0 : i32
    %mul3A_1 = arith.constant 200 : i32
    %mul3A_2 = arith.muli %add3A, %mul3A_1 : i32
    %mul3A_3 = arith.constant 25600 : i32
    %mul3A_4 = arith.muli %add3A, %mul3A_3 : i32
    %scan3A = arith.constant 0 : i32
    %scan3A_5 = arith.constant 0 : i32
    %scan3A_6 = arith.constant 20 : i32
    %scan3A_7 = arith.addi %scan3A_5, %scan3A_6 : i32
    %scan3A_8 = arith.constant 1 : i32
    scf.for %scan3A_10 = %scan3A_5 to %scan3A_7 step %scan3A_8  : i32 {
      %mul3A_11 = arith.constant 10 : i32
      %mul3A_12 = arith.muli %scan3A_10, %mul3A_11 : i32
      %add3A_13 = arith.addi %mul3A_2, %mul3A_12 : i32
      "tpu.region"() ({
        %run_scoped3A = tpu.sem_alloc : memref<!tpu.dma_semaphore, #tpu.memory_space<semaphore_mem>>
        %dma_start3A_215 = arith.constant 0 : i32
        %dma_start3A_216 = tpu.memref_slice %arg2[%add3A_13, %dma_start3A_215] : memref<6400x128xi32, #tpu.memory_space<hbm>> -> memref<10x128xi32, #tpu.memory_space<hbm>>
        %dma_start3A_217 = arith.constant 0 : i32
        %dma_start3A_218 = tpu.memref_slice %arg2[%add3A_13, %dma_start3A_217] : memref<6400x128xi32, #tpu.memory_space<hbm>> -> memref<10x128xi32, #tpu.memory_space<hbm>>
        tpu.enqueue_dma source(%dma_start3A_218 : memref<10x128xi32, #tpu.memory_space<hbm>>) target(%arg5 : memref<10x128xi32, #tpu.memory_space<vmem>>) target_semaphore(%run_scoped3A : memref<!tpu.dma_semaphore, #tpu.memory_space<semaphore_mem>>)
        %dma_wait3A_219 = arith.constant 0 : i32
        %dma_wait3A_220 = tpu.memref_slice %arg2[%add3A_13, %dma_wait3A_219] : memref<6400x128xi32, #tpu.memory_space<hbm>> -> memref<10x128xi32, #tpu.memory_space<hbm>>
        %dma_wait3A_221 = arith.constant 0 : i32
        %dma_wait3A_222 = tpu.memref_slice %arg2[%add3A_13, %dma_wait3A_221] : memref<6400x128xi32, #tpu.memory_space<hbm>> -> memref<10x128xi32, #tpu.memory_space<hbm>>
        tpu.wait_dma2 semaphore(%run_scoped3A : memref<!tpu.dma_semaphore, #tpu.memory_space<semaphore_mem>>) src(%dma_wait3A_222 : memref<10x128xi32, #tpu.memory_space<hbm>>) dst(%arg5 : memref<10x128xi32, #tpu.memory_space<vmem>>)
        tpu.yield
      }) : () -> ()
      %dma_start3A = arith.constant 0 : i32
      %dma_start3A_14 = arith.constant 0 : i32
      %dma_start3A_15 = arith.constant 0 : i32
      %dma_start3A_16 = tpu.memref_slice %arg6[%dma_start3A_14, %dma_start3A_15] : memref<1280x64xf32, #tpu.memory_space<vmem>> -> memref<128x64xf32, #tpu.memory_space<vmem>>
      %dma_start3A_17 = arith.constant 0 : i32
      %dma_start3A_18 = tpu.memref_slice %arg5[%dma_start3A, %dma_start3A_17] : memref<10x128xi32, #tpu.memory_space<vmem>> -> memref<1x128xi32, #tpu.memory_space<vmem>>
      %dma_start3A_19 = tpu.memref_squeeze %dma_start3A_18 : memref<1x128xi32, #tpu.memory_space<vmem>> -> memref<128xi32, #tpu.memory_space<vmem>>
      %dma_start3A_20 = arith.constant 0 : i32
      %dma_start3A_21 = arith.constant 0 : i32
      %dma_start3A_22 = tpu.memref_slice %arg3[%dma_start3A_20, %dma_start3A_21] : memref<1024000x64xf32, #tpu.memory_space<hbm>> -> memref<1024000x64xf32, #tpu.memory_space<hbm>>
      tpu.enqueue_indirect_dma source(%dma_start3A_22 : memref<1024000x64xf32, #tpu.memory_space<hbm>>) target(%dma_start3A_16 : memref<128x64xf32, #tpu.memory_space<vmem>>) offsets(%dma_start3A_19 : memref<128xi32, #tpu.memory_space<vmem>>) semaphore(%arg7 : memref<!tpu.dma_semaphore, #tpu.memory_space<semaphore_mem>>)
      %dma_start3A_23 = arith.constant 1 : i32
      %dma_start3A_24 = arith.constant 128 : i32
      %dma_start3A_25 = arith.constant 0 : i32
      %dma_start3A_26 = tpu.memref_slice %arg6[%dma_start3A_24, %dma_start3A_25] : memref<1280x64xf32, #tpu.memory_space<vmem>> -> memref<128x64xf32, #tpu.memory_space<vmem>>
      %dma_start3A_27 = arith.constant 0 : i32
      %dma_start3A_28 = tpu.memref_slice %arg5[%dma_start3A_23, %dma_start3A_27] : memref<10x128xi32, #tpu.memory_space<vmem>> -> memref<1x128xi32, #tpu.memory_space<vmem>>
      %dma_start3A_29 = tpu.memref_squeeze %dma_start3A_28 : memref<1x128xi32, #tpu.memory_space<vmem>> -> memref<128xi32, #tpu.memory_space<vmem>>
      %dma_start3A_30 = arith.constant 0 : i32
      %dma_start3A_31 = arith.constant 0 : i32
      %dma_start3A_32 = tpu.memref_slice %arg3[%dma_start3A_30, %dma_start3A_31] : memref<1024000x64xf32, #tpu.memory_space<hbm>> -> memref<1024000x64xf32, #tpu.memory_space<hbm>>
      tpu.enqueue_indirect_dma source(%dma_start3A_32 : memref<1024000x64xf32, #tpu.memory_space<hbm>>) target(%dma_start3A_26 : memref<128x64xf32, #tpu.memory_space<vmem>>) offsets(%dma_start3A_29 : memref<128xi32, #tpu.memory_space<vmem>>) semaphore(%arg7 : memref<!tpu.dma_semaphore, #tpu.memory_space<semaphore_mem>>)
      %dma_start3A_33 = arith.constant 2 : i32
      %dma_start3A_34 = arith.constant 256 : i32
      %dma_start3A_35 = arith.constant 0 : i32
      %dma_start3A_36 = tpu.memref_slice %arg6[%dma_start3A_34, %dma_start3A_35] : memref<1280x64xf32, #tpu.memory_space<vmem>> -> memref<128x64xf32, #tpu.memory_space<vmem>>
      %dma_start3A_37 = arith.constant 0 : i32
      %dma_start3A_38 = tpu.memref_slice %arg5[%dma_start3A_33, %dma_start3A_37] : memref<10x128xi32, #tpu.memory_space<vmem>> -> memref<1x128xi32, #tpu.memory_space<vmem>>
      %dma_start3A_39 = tpu.memref_squeeze %dma_start3A_38 : memref<1x128xi32, #tpu.memory_space<vmem>> -> memref<128xi32, #tpu.memory_space<vmem>>
      %dma_start3A_40 = arith.constant 0 : i32
      %dma_start3A_41 = arith.constant 0 : i32
      %dma_start3A_42 = tpu.memref_slice %arg3[%dma_start3A_40, %dma_start3A_41] : memref<1024000x64xf32, #tpu.memory_space<hbm>> -> memref<1024000x64xf32, #tpu.memory_space<hbm>>
      tpu.enqueue_indirect_dma source(%dma_start3A_42 : memref<1024000x64xf32, #tpu.memory_space<hbm>>) target(%dma_start3A_36 : memref<128x64xf32, #tpu.memory_space<vmem>>) offsets(%dma_start3A_39 : memref<128xi32, #tpu.memory_space<vmem>>) semaphore(%arg7 : memref<!tpu.dma_semaphore, #tpu.memory_space<semaphore_mem>>)
      %dma_start3A_43 = arith.constant 3 : i32
      %dma_start3A_44 = arith.constant 384 : i32
      %dma_start3A_45 = arith.constant 0 : i32
      %dma_start3A_46 = tpu.memref_slice %arg6[%dma_start3A_44, %dma_start3A_45] : memref<1280x64xf32, #tpu.memory_space<vmem>> -> memref<128x64xf32, #tpu.memory_space<vmem>>
      %dma_start3A_47 = arith.constant 0 : i32
      %dma_start3A_48 = tpu.memref_slice %arg5[%dma_start3A_43, %dma_start3A_47] : memref<10x128xi32, #tpu.memory_space<vmem>> -> memref<1x128xi32, #tpu.memory_space<vmem>>
      %dma_start3A_49 = tpu.memref_squeeze %dma_start3A_48 : memref<1x128xi32, #tpu.memory_space<vmem>> -> memref<128xi32, #tpu.memory_space<vmem>>
      %dma_start3A_50 = arith.constant 0 : i32
      %dma_start3A_51 = arith.constant 0 : i32
      %dma_start3A_52 = tpu.memref_slice %arg3[%dma_start3A_50, %dma_start3A_51] : memref<1024000x64xf32, #tpu.memory_space<hbm>> -> memref<1024000x64xf32, #tpu.memory_space<hbm>>
      tpu.enqueue_indirect_dma source(%dma_start3A_52 : memref<1024000x64xf32, #tpu.memory_space<hbm>>) target(%dma_start3A_46 : memref<128x64xf32, #tpu.memory_space<vmem>>) offsets(%dma_start3A_49 : memref<128xi32, #tpu.memory_space<vmem>>) semaphore(%arg7 : memref<!tpu.dma_semaphore, #tpu.memory_space<semaphore_mem>>)
      %dma_start3A_53 = arith.constant 4 : i32
      %dma_start3A_54 = arith.constant 512 : i32
      %dma_start3A_55 = arith.constant 0 : i32
      %dma_start3A_56 = tpu.memref_slice %arg6[%dma_start3A_54, %dma_start3A_55] : memref<1280x64xf32, #tpu.memory_space<vmem>> -> memref<128x64xf32, #tpu.memory_space<vmem>>
      %dma_start3A_57 = arith.constant 0 : i32
      %dma_start3A_58 = tpu.memref_slice %arg5[%dma_start3A_53, %dma_start3A_57] : memref<10x128xi32, #tpu.memory_space<vmem>> -> memref<1x128xi32, #tpu.memory_space<vmem>>
      %dma_start3A_59 = tpu.memref_squeeze %dma_start3A_58 : memref<1x128xi32, #tpu.memory_space<vmem>> -> memref<128xi32, #tpu.memory_space<vmem>>
      %dma_start3A_60 = arith.constant 0 : i32
      %dma_start3A_61 = arith.constant 0 : i32
      %dma_start3A_62 = tpu.memref_slice %arg3[%dma_start3A_60, %dma_start3A_61] : memref<1024000x64xf32, #tpu.memory_space<hbm>> -> memref<1024000x64xf32, #tpu.memory_space<hbm>>
      tpu.enqueue_indirect_dma source(%dma_start3A_62 : memref<1024000x64xf32, #tpu.memory_space<hbm>>) target(%dma_start3A_56 : memref<128x64xf32, #tpu.memory_space<vmem>>) offsets(%dma_start3A_59 : memref<128xi32, #tpu.memory_space<vmem>>) semaphore(%arg7 : memref<!tpu.dma_semaphore, #tpu.memory_space<semaphore_mem>>)
      %dma_start3A_63 = arith.constant 5 : i32
      %dma_start3A_64 = arith.constant 640 : i32
      %dma_start3A_65 = arith.constant 0 : i32
      %dma_start3A_66 = tpu.memref_slice %arg6[%dma_start3A_64, %dma_start3A_65] : memref<1280x64xf32, #tpu.memory_space<vmem>> -> memref<128x64xf32, #tpu.memory_space<vmem>>
      %dma_start3A_67 = arith.constant 0 : i32
      %dma_start3A_68 = tpu.memref_slice %arg5[%dma_start3A_63, %dma_start3A_67] : memref<10x128xi32, #tpu.memory_space<vmem>> -> memref<1x128xi32, #tpu.memory_space<vmem>>
      %dma_start3A_69 = tpu.memref_squeeze %dma_start3A_68 : memref<1x128xi32, #tpu.memory_space<vmem>> -> memref<128xi32, #tpu.memory_space<vmem>>
      %dma_start3A_70 = arith.constant 0 : i32
      %dma_start3A_71 = arith.constant 0 : i32
      %dma_start3A_72 = tpu.memref_slice %arg3[%dma_start3A_70, %dma_start3A_71] : memref<1024000x64xf32, #tpu.memory_space<hbm>> -> memref<1024000x64xf32, #tpu.memory_space<hbm>>
      tpu.enqueue_indirect_dma source(%dma_start3A_72 : memref<1024000x64xf32, #tpu.memory_space<hbm>>) target(%dma_start3A_66 : memref<128x64xf32, #tpu.memory_space<vmem>>) offsets(%dma_start3A_69 : memref<128xi32, #tpu.memory_space<vmem>>) semaphore(%arg7 : memref<!tpu.dma_semaphore, #tpu.memory_space<semaphore_mem>>)
      %dma_start3A_73 = arith.constant 6 : i32
      %dma_start3A_74 = arith.constant 768 : i32
      %dma_start3A_75 = arith.constant 0 : i32
      %dma_start3A_76 = tpu.memref_slice %arg6[%dma_start3A_74, %dma_start3A_75] : memref<1280x64xf32, #tpu.memory_space<vmem>> -> memref<128x64xf32, #tpu.memory_space<vmem>>
      %dma_start3A_77 = arith.constant 0 : i32
      %dma_start3A_78 = tpu.memref_slice %arg5[%dma_start3A_73, %dma_start3A_77] : memref<10x128xi32, #tpu.memory_space<vmem>> -> memref<1x128xi32, #tpu.memory_space<vmem>>
      %dma_start3A_79 = tpu.memref_squeeze %dma_start3A_78 : memref<1x128xi32, #tpu.memory_space<vmem>> -> memref<128xi32, #tpu.memory_space<vmem>>
      %dma_start3A_80 = arith.constant 0 : i32
      %dma_start3A_81 = arith.constant 0 : i32
      %dma_start3A_82 = tpu.memref_slice %arg3[%dma_start3A_80, %dma_start3A_81] : memref<1024000x64xf32, #tpu.memory_space<hbm>> -> memref<1024000x64xf32, #tpu.memory_space<hbm>>
      tpu.enqueue_indirect_dma source(%dma_start3A_82 : memref<1024000x64xf32, #tpu.memory_space<hbm>>) target(%dma_start3A_76 : memref<128x64xf32, #tpu.memory_space<vmem>>) offsets(%dma_start3A_79 : memref<128xi32, #tpu.memory_space<vmem>>) semaphore(%arg7 : memref<!tpu.dma_semaphore, #tpu.memory_space<semaphore_mem>>)
      %dma_start3A_83 = arith.constant 7 : i32
      %dma_start3A_84 = arith.constant 896 : i32
      %dma_start3A_85 = arith.constant 0 : i32
      %dma_start3A_86 = tpu.memref_slice %arg6[%dma_start3A_84, %dma_start3A_85] : memref<1280x64xf32, #tpu.memory_space<vmem>> -> memref<128x64xf32, #tpu.memory_space<vmem>>
      %dma_start3A_87 = arith.constant 0 : i32
      %dma_start3A_88 = tpu.memref_slice %arg5[%dma_start3A_83, %dma_start3A_87] : memref<10x128xi32, #tpu.memory_space<vmem>> -> memref<1x128xi32, #tpu.memory_space<vmem>>
      %dma_start3A_89 = tpu.memref_squeeze %dma_start3A_88 : memref<1x128xi32, #tpu.memory_space<vmem>> -> memref<128xi32, #tpu.memory_space<vmem>>
      %dma_start3A_90 = arith.constant 0 : i32
      %dma_start3A_91 = arith.constant 0 : i32
      %dma_start3A_92 = tpu.memref_slice %arg3[%dma_start3A_90, %dma_start3A_91] : memref<1024000x64xf32, #tpu.memory_space<hbm>> -> memref<1024000x64xf32, #tpu.memory_space<hbm>>
      tpu.enqueue_indirect_dma source(%dma_start3A_92 : memref<1024000x64xf32, #tpu.memory_space<hbm>>) target(%dma_start3A_86 : memref<128x64xf32, #tpu.memory_space<vmem>>) offsets(%dma_start3A_89 : memref<128xi32, #tpu.memory_space<vmem>>) semaphore(%arg7 : memref<!tpu.dma_semaphore, #tpu.memory_space<semaphore_mem>>)
      %dma_start3A_93 = arith.constant 8 : i32
      %dma_start3A_94 = arith.constant 1024 : i32
      %dma_start3A_95 = arith.constant 0 : i32
      %dma_start3A_96 = tpu.memref_slice %arg6[%dma_start3A_94, %dma_start3A_95] : memref<1280x64xf32, #tpu.memory_space<vmem>> -> memref<128x64xf32, #tpu.memory_space<vmem>>
      %dma_start3A_97 = arith.constant 0 : i32
      %dma_start3A_98 = tpu.memref_slice %arg5[%dma_start3A_93, %dma_start3A_97] : memref<10x128xi32, #tpu.memory_space<vmem>> -> memref<1x128xi32, #tpu.memory_space<vmem>>
      %dma_start3A_99 = tpu.memref_squeeze %dma_start3A_98 : memref<1x128xi32, #tpu.memory_space<vmem>> -> memref<128xi32, #tpu.memory_space<vmem>>
      %dma_start3A_100 = arith.constant 0 : i32
      %dma_start3A_101 = arith.constant 0 : i32
      %dma_start3A_102 = tpu.memref_slice %arg3[%dma_start3A_100, %dma_start3A_101] : memref<1024000x64xf32, #tpu.memory_space<hbm>> -> memref<1024000x64xf32, #tpu.memory_space<hbm>>
      tpu.enqueue_indirect_dma source(%dma_start3A_102 : memref<1024000x64xf32, #tpu.memory_space<hbm>>) target(%dma_start3A_96 : memref<128x64xf32, #tpu.memory_space<vmem>>) offsets(%dma_start3A_99 : memref<128xi32, #tpu.memory_space<vmem>>) semaphore(%arg7 : memref<!tpu.dma_semaphore, #tpu.memory_space<semaphore_mem>>)
      %dma_start3A_103 = arith.constant 9 : i32
      %dma_start3A_104 = arith.constant 1152 : i32
      %dma_start3A_105 = arith.constant 0 : i32
      %dma_start3A_106 = tpu.memref_slice %arg6[%dma_start3A_104, %dma_start3A_105] : memref<1280x64xf32, #tpu.memory_space<vmem>> -> memref<128x64xf32, #tpu.memory_space<vmem>>
      %dma_start3A_107 = arith.constant 0 : i32
      %dma_start3A_108 = tpu.memref_slice %arg5[%dma_start3A_103, %dma_start3A_107] : memref<10x128xi32, #tpu.memory_space<vmem>> -> memref<1x128xi32, #tpu.memory_space<vmem>>
      %dma_start3A_109 = tpu.memref_squeeze %dma_start3A_108 : memref<1x128xi32, #tpu.memory_space<vmem>> -> memref<128xi32, #tpu.memory_space<vmem>>
      %dma_start3A_110 = arith.constant 0 : i32
      %dma_start3A_111 = arith.constant 0 : i32
      %dma_start3A_112 = tpu.memref_slice %arg3[%dma_start3A_110, %dma_start3A_111] : memref<1024000x64xf32, #tpu.memory_space<hbm>> -> memref<1024000x64xf32, #tpu.memory_space<hbm>>
      tpu.enqueue_indirect_dma source(%dma_start3A_112 : memref<1024000x64xf32, #tpu.memory_space<hbm>>) target(%dma_start3A_106 : memref<128x64xf32, #tpu.memory_space<vmem>>) offsets(%dma_start3A_109 : memref<128xi32, #tpu.memory_space<vmem>>) semaphore(%arg7 : memref<!tpu.dma_semaphore, #tpu.memory_space<semaphore_mem>>)
      %dma_wait3A = arith.constant 0 : i32
      %dma_wait3A_113 = arith.constant 0 : i32
      %dma_wait3A_114 = arith.constant 0 : i32
      %dma_wait3A_115 = tpu.memref_slice %arg6[%dma_wait3A_113, %dma_wait3A_114] : memref<1280x64xf32, #tpu.memory_space<vmem>> -> memref<128x64xf32, #tpu.memory_space<vmem>>
      %dma_wait3A_116 = arith.constant 0 : i32
      %dma_wait3A_117 = tpu.memref_slice %arg5[%dma_wait3A, %dma_wait3A_116] : memref<10x128xi32, #tpu.memory_space<vmem>> -> memref<1x128xi32, #tpu.memory_space<vmem>>
      %dma_wait3A_118 = tpu.memref_squeeze %dma_wait3A_117 : memref<1x128xi32, #tpu.memory_space<vmem>> -> memref<128xi32, #tpu.memory_space<vmem>>
      %dma_wait3A_119 = arith.constant 0 : i32
      %dma_wait3A_120 = arith.constant 0 : i32
      %dma_wait3A_121 = tpu.memref_slice %arg3[%dma_wait3A_119, %dma_wait3A_120] : memref<1024000x64xf32, #tpu.memory_space<hbm>> -> memref<1024000x64xf32, #tpu.memory_space<hbm>>
      tpu.wait_indirect_dma semaphore(%arg7 : memref<!tpu.dma_semaphore, #tpu.memory_space<semaphore_mem>>) src(%dma_wait3A_121 : memref<1024000x64xf32, #tpu.memory_space<hbm>>) dst(%dma_wait3A_115 : memref<128x64xf32, #tpu.memory_space<vmem>>)
      %dma_wait3A_122 = arith.constant 1 : i32
      %dma_wait3A_123 = arith.constant 128 : i32
      %dma_wait3A_124 = arith.constant 0 : i32
      %dma_wait3A_125 = tpu.memref_slice %arg6[%dma_wait3A_123, %dma_wait3A_124] : memref<1280x64xf32, #tpu.memory_space<vmem>> -> memref<128x64xf32, #tpu.memory_space<vmem>>
      %dma_wait3A_126 = arith.constant 0 : i32
      %dma_wait3A_127 = tpu.memref_slice %arg5[%dma_wait3A_122, %dma_wait3A_126] : memref<10x128xi32, #tpu.memory_space<vmem>> -> memref<1x128xi32, #tpu.memory_space<vmem>>
      %dma_wait3A_128 = tpu.memref_squeeze %dma_wait3A_127 : memref<1x128xi32, #tpu.memory_space<vmem>> -> memref<128xi32, #tpu.memory_space<vmem>>
      %dma_wait3A_129 = arith.constant 0 : i32
      %dma_wait3A_130 = arith.constant 0 : i32
      %dma_wait3A_131 = tpu.memref_slice %arg3[%dma_wait3A_129, %dma_wait3A_130] : memref<1024000x64xf32, #tpu.memory_space<hbm>> -> memref<1024000x64xf32, #tpu.memory_space<hbm>>
      tpu.wait_indirect_dma semaphore(%arg7 : memref<!tpu.dma_semaphore, #tpu.memory_space<semaphore_mem>>) src(%dma_wait3A_131 : memref<1024000x64xf32, #tpu.memory_space<hbm>>) dst(%dma_wait3A_125 : memref<128x64xf32, #tpu.memory_space<vmem>>)
      %dma_wait3A_132 = arith.constant 2 : i32
      %dma_wait3A_133 = arith.constant 256 : i32
      %dma_wait3A_134 = arith.constant 0 : i32
      %dma_wait3A_135 = tpu.memref_slice %arg6[%dma_wait3A_133, %dma_wait3A_134] : memref<1280x64xf32, #tpu.memory_space<vmem>> -> memref<128x64xf32, #tpu.memory_space<vmem>>
      %dma_wait3A_136 = arith.constant 0 : i32
      %dma_wait3A_137 = tpu.memref_slice %arg5[%dma_wait3A_132, %dma_wait3A_136] : memref<10x128xi32, #tpu.memory_space<vmem>> -> memref<1x128xi32, #tpu.memory_space<vmem>>
      %dma_wait3A_138 = tpu.memref_squeeze %dma_wait3A_137 : memref<1x128xi32, #tpu.memory_space<vmem>> -> memref<128xi32, #tpu.memory_space<vmem>>
      %dma_wait3A_139 = arith.constant 0 : i32
      %dma_wait3A_140 = arith.constant 0 : i32
      %dma_wait3A_141 = tpu.memref_slice %arg3[%dma_wait3A_139, %dma_wait3A_140] : memref<1024000x64xf32, #tpu.memory_space<hbm>> -> memref<1024000x64xf32, #tpu.memory_space<hbm>>
      tpu.wait_indirect_dma semaphore(%arg7 : memref<!tpu.dma_semaphore, #tpu.memory_space<semaphore_mem>>) src(%dma_wait3A_141 : memref<1024000x64xf32, #tpu.memory_space<hbm>>) dst(%dma_wait3A_135 : memref<128x64xf32, #tpu.memory_space<vmem>>)
      %dma_wait3A_142 = arith.constant 3 : i32
      %dma_wait3A_143 = arith.constant 384 : i32
      %dma_wait3A_144 = arith.constant 0 : i32
      %dma_wait3A_145 = tpu.memref_slice %arg6[%dma_wait3A_143, %dma_wait3A_144] : memref<1280x64xf32, #tpu.memory_space<vmem>> -> memref<128x64xf32, #tpu.memory_space<vmem>>
      %dma_wait3A_146 = arith.constant 0 : i32
      %dma_wait3A_147 = tpu.memref_slice %arg5[%dma_wait3A_142, %dma_wait3A_146] : memref<10x128xi32, #tpu.memory_space<vmem>> -> memref<1x128xi32, #tpu.memory_space<vmem>>
      %dma_wait3A_148 = tpu.memref_squeeze %dma_wait3A_147 : memref<1x128xi32, #tpu.memory_space<vmem>> -> memref<128xi32, #tpu.memory_space<vmem>>
      %dma_wait3A_149 = arith.constant 0 : i32
      %dma_wait3A_150 = arith.constant 0 : i32
      %dma_wait3A_151 = tpu.memref_slice %arg3[%dma_wait3A_149, %dma_wait3A_150] : memref<1024000x64xf32, #tpu.memory_space<hbm>> -> memref<1024000x64xf32, #tpu.memory_space<hbm>>
      tpu.wait_indirect_dma semaphore(%arg7 : memref<!tpu.dma_semaphore, #tpu.memory_space<semaphore_mem>>) src(%dma_wait3A_151 : memref<1024000x64xf32, #tpu.memory_space<hbm>>) dst(%dma_wait3A_145 : memref<128x64xf32, #tpu.memory_space<vmem>>)
      %dma_wait3A_152 = arith.constant 4 : i32
      %dma_wait3A_153 = arith.constant 512 : i32
      %dma_wait3A_154 = arith.constant 0 : i32
      %dma_wait3A_155 = tpu.memref_slice %arg6[%dma_wait3A_153, %dma_wait3A_154] : memref<1280x64xf32, #tpu.memory_space<vmem>> -> memref<128x64xf32, #tpu.memory_space<vmem>>
      %dma_wait3A_156 = arith.constant 0 : i32
      %dma_wait3A_157 = tpu.memref_slice %arg5[%dma_wait3A_152, %dma_wait3A_156] : memref<10x128xi32, #tpu.memory_space<vmem>> -> memref<1x128xi32, #tpu.memory_space<vmem>>
      %dma_wait3A_158 = tpu.memref_squeeze %dma_wait3A_157 : memref<1x128xi32, #tpu.memory_space<vmem>> -> memref<128xi32, #tpu.memory_space<vmem>>
      %dma_wait3A_159 = arith.constant 0 : i32
      %dma_wait3A_160 = arith.constant 0 : i32
      %dma_wait3A_161 = tpu.memref_slice %arg3[%dma_wait3A_159, %dma_wait3A_160] : memref<1024000x64xf32, #tpu.memory_space<hbm>> -> memref<1024000x64xf32, #tpu.memory_space<hbm>>
      tpu.wait_indirect_dma semaphore(%arg7 : memref<!tpu.dma_semaphore, #tpu.memory_space<semaphore_mem>>) src(%dma_wait3A_161 : memref<1024000x64xf32, #tpu.memory_space<hbm>>) dst(%dma_wait3A_155 : memref<128x64xf32, #tpu.memory_space<vmem>>)
      %dma_wait3A_162 = arith.constant 5 : i32
      %dma_wait3A_163 = arith.constant 640 : i32
      %dma_wait3A_164 = arith.constant 0 : i32
      %dma_wait3A_165 = tpu.memref_slice %arg6[%dma_wait3A_163, %dma_wait3A_164] : memref<1280x64xf32, #tpu.memory_space<vmem>> -> memref<128x64xf32, #tpu.memory_space<vmem>>
      %dma_wait3A_166 = arith.constant 0 : i32
      %dma_wait3A_167 = tpu.memref_slice %arg5[%dma_wait3A_162, %dma_wait3A_166] : memref<10x128xi32, #tpu.memory_space<vmem>> -> memref<1x128xi32, #tpu.memory_space<vmem>>
      %dma_wait3A_168 = tpu.memref_squeeze %dma_wait3A_167 : memref<1x128xi32, #tpu.memory_space<vmem>> -> memref<128xi32, #tpu.memory_space<vmem>>
      %dma_wait3A_169 = arith.constant 0 : i32
      %dma_wait3A_170 = arith.constant 0 : i32
      %dma_wait3A_171 = tpu.memref_slice %arg3[%dma_wait3A_169, %dma_wait3A_170] : memref<1024000x64xf32, #tpu.memory_space<hbm>> -> memref<1024000x64xf32, #tpu.memory_space<hbm>>
      tpu.wait_indirect_dma semaphore(%arg7 : memref<!tpu.dma_semaphore, #tpu.memory_space<semaphore_mem>>) src(%dma_wait3A_171 : memref<1024000x64xf32, #tpu.memory_space<hbm>>) dst(%dma_wait3A_165 : memref<128x64xf32, #tpu.memory_space<vmem>>)
      %dma_wait3A_172 = arith.constant 6 : i32
      %dma_wait3A_173 = arith.constant 768 : i32
      %dma_wait3A_174 = arith.constant 0 : i32
      %dma_wait3A_175 = tpu.memref_slice %arg6[%dma_wait3A_173, %dma_wait3A_174] : memref<1280x64xf32, #tpu.memory_space<vmem>> -> memref<128x64xf32, #tpu.memory_space<vmem>>
      %dma_wait3A_176 = arith.constant 0 : i32
      %dma_wait3A_177 = tpu.memref_slice %arg5[%dma_wait3A_172, %dma_wait3A_176] : memref<10x128xi32, #tpu.memory_space<vmem>> -> memref<1x128xi32, #tpu.memory_space<vmem>>
      %dma_wait3A_178 = tpu.memref_squeeze %dma_wait3A_177 : memref<1x128xi32, #tpu.memory_space<vmem>> -> memref<128xi32, #tpu.memory_space<vmem>>
      %dma_wait3A_179 = arith.constant 0 : i32
      %dma_wait3A_180 = arith.constant 0 : i32
      %dma_wait3A_181 = tpu.memref_slice %arg3[%dma_wait3A_179, %dma_wait3A_180] : memref<1024000x64xf32, #tpu.memory_space<hbm>> -> memref<1024000x64xf32, #tpu.memory_space<hbm>>
      tpu.wait_indirect_dma semaphore(%arg7 : memref<!tpu.dma_semaphore, #tpu.memory_space<semaphore_mem>>) src(%dma_wait3A_181 : memref<1024000x64xf32, #tpu.memory_space<hbm>>) dst(%dma_wait3A_175 : memref<128x64xf32, #tpu.memory_space<vmem>>)
      %dma_wait3A_182 = arith.constant 7 : i32
      %dma_wait3A_183 = arith.constant 896 : i32
      %dma_wait3A_184 = arith.constant 0 : i32
      %dma_wait3A_185 = tpu.memref_slice %arg6[%dma_wait3A_183, %dma_wait3A_184] : memref<1280x64xf32, #tpu.memory_space<vmem>> -> memref<128x64xf32, #tpu.memory_space<vmem>>
      %dma_wait3A_186 = arith.constant 0 : i32
      %dma_wait3A_187 = tpu.memref_slice %arg5[%dma_wait3A_182, %dma_wait3A_186] : memref<10x128xi32, #tpu.memory_space<vmem>> -> memref<1x128xi32, #tpu.memory_space<vmem>>
      %dma_wait3A_188 = tpu.memref_squeeze %dma_wait3A_187 : memref<1x128xi32, #tpu.memory_space<vmem>> -> memref<128xi32, #tpu.memory_space<vmem>>
      %dma_wait3A_189 = arith.constant 0 : i32
      %dma_wait3A_190 = arith.constant 0 : i32
      %dma_wait3A_191 = tpu.memref_slice %arg3[%dma_wait3A_189, %dma_wait3A_190] : memref<1024000x64xf32, #tpu.memory_space<hbm>> -> memref<1024000x64xf32, #tpu.memory_space<hbm>>
      tpu.wait_indirect_dma semaphore(%arg7 : memref<!tpu.dma_semaphore, #tpu.memory_space<semaphore_mem>>) src(%dma_wait3A_191 : memref<1024000x64xf32, #tpu.memory_space<hbm>>) dst(%dma_wait3A_185 : memref<128x64xf32, #tpu.memory_space<vmem>>)
      %dma_wait3A_192 = arith.constant 8 : i32
      %dma_wait3A_193 = arith.constant 1024 : i32
      %dma_wait3A_194 = arith.constant 0 : i32
      %dma_wait3A_195 = tpu.memref_slice %arg6[%dma_wait3A_193, %dma_wait3A_194] : memref<1280x64xf32, #tpu.memory_space<vmem>> -> memref<128x64xf32, #tpu.memory_space<vmem>>
      %dma_wait3A_196 = arith.constant 0 : i32
      %dma_wait3A_197 = tpu.memref_slice %arg5[%dma_wait3A_192, %dma_wait3A_196] : memref<10x128xi32, #tpu.memory_space<vmem>> -> memref<1x128xi32, #tpu.memory_space<vmem>>
      %dma_wait3A_198 = tpu.memref_squeeze %dma_wait3A_197 : memref<1x128xi32, #tpu.memory_space<vmem>> -> memref<128xi32, #tpu.memory_space<vmem>>
      %dma_wait3A_199 = arith.constant 0 : i32
      %dma_wait3A_200 = arith.constant 0 : i32
      %dma_wait3A_201 = tpu.memref_slice %arg3[%dma_wait3A_199, %dma_wait3A_200] : memref<1024000x64xf32, #tpu.memory_space<hbm>> -> memref<1024000x64xf32, #tpu.memory_space<hbm>>
      tpu.wait_indirect_dma semaphore(%arg7 : memref<!tpu.dma_semaphore, #tpu.memory_space<semaphore_mem>>) src(%dma_wait3A_201 : memref<1024000x64xf32, #tpu.memory_space<hbm>>) dst(%dma_wait3A_195 : memref<128x64xf32, #tpu.memory_space<vmem>>)
      %dma_wait3A_202 = arith.constant 9 : i32
      %dma_wait3A_203 = arith.constant 1152 : i32
      %dma_wait3A_204 = arith.constant 0 : i32
      %dma_wait3A_205 = tpu.memref_slice %arg6[%dma_wait3A_203, %dma_wait3A_204] : memref<1280x64xf32, #tpu.memory_space<vmem>> -> memref<128x64xf32, #tpu.memory_space<vmem>>
      %dma_wait3A_206 = arith.constant 0 : i32
      %dma_wait3A_207 = tpu.memref_slice %arg5[%dma_wait3A_202, %dma_wait3A_206] : memref<10x128xi32, #tpu.memory_space<vmem>> -> memref<1x128xi32, #tpu.memory_space<vmem>>
      %dma_wait3A_208 = tpu.memref_squeeze %dma_wait3A_207 : memref<1x128xi32, #tpu.memory_space<vmem>> -> memref<128xi32, #tpu.memory_space<vmem>>
      %dma_wait3A_209 = arith.constant 0 : i32
      %dma_wait3A_210 = arith.constant 0 : i32
      %dma_wait3A_211 = tpu.memref_slice %arg3[%dma_wait3A_209, %dma_wait3A_210] : memref<1024000x64xf32, #tpu.memory_space<hbm>> -> memref<1024000x64xf32, #tpu.memory_space<hbm>>
      tpu.wait_indirect_dma semaphore(%arg7 : memref<!tpu.dma_semaphore, #tpu.memory_space<semaphore_mem>>) src(%dma_wait3A_211 : memref<1024000x64xf32, #tpu.memory_space<hbm>>) dst(%dma_wait3A_205 : memref<128x64xf32, #tpu.memory_space<vmem>>)
      %mul3A_212 = arith.constant 1280 : i32
      %mul3A_213 = arith.muli %scan3A_10, %mul3A_212 : i32
      %add3A_214 = arith.addi %mul3A_4, %mul3A_213 : i32
      "tpu.region"() ({
        %run_scoped3A = tpu.sem_alloc : memref<!tpu.dma_semaphore, #tpu.memory_space<semaphore_mem>>
        %dma_start3A_215 = arith.constant 0 : i32
        %dma_start3A_216 = tpu.memref_slice %arg4[%add3A_214, %dma_start3A_215] : memref<819200x64xf32, #tpu.memory_space<hbm>> -> memref<1280x64xf32, #tpu.memory_space<hbm>>
        %dma_start3A_217 = arith.constant 0 : i32
        %dma_start3A_218 = tpu.memref_slice %arg4[%add3A_214, %dma_start3A_217] : memref<819200x64xf32, #tpu.memory_space<hbm>> -> memref<1280x64xf32, #tpu.memory_space<hbm>>
        tpu.enqueue_dma source(%arg6 : memref<1280x64xf32, #tpu.memory_space<vmem>>) target(%dma_start3A_218 : memref<1280x64xf32, #tpu.memory_space<hbm>>) target_semaphore(%run_scoped3A : memref<!tpu.dma_semaphore, #tpu.memory_space<semaphore_mem>>)
        %dma_wait3A_219 = arith.constant 0 : i32
        %dma_wait3A_220 = tpu.memref_slice %arg4[%add3A_214, %dma_wait3A_219] : memref<819200x64xf32, #tpu.memory_space<hbm>> -> memref<1280x64xf32, #tpu.memory_space<hbm>>
        %dma_wait3A_221 = arith.constant 0 : i32
        %dma_wait3A_222 = tpu.memref_slice %arg4[%add3A_214, %dma_wait3A_221] : memref<819200x64xf32, #tpu.memory_space<hbm>> -> memref<1280x64xf32, #tpu.memory_space<hbm>>
        tpu.wait_dma2 semaphore(%run_scoped3A : memref<!tpu.dma_semaphore, #tpu.memory_space<semaphore_mem>>) src(%arg6 : memref<1280x64xf32, #tpu.memory_space<vmem>>) dst(%dma_wait3A_222 : memref<1280x64xf32, #tpu.memory_space<hbm>>)
        tpu.yield
      }) : () -> ()
    }
    %scan3A_9 = arith.constant 20 : i32
    return
  }
}

module attributes {stable_mosaic.version = 14 : i64} {
  func.func @body(%arg0: i32, %arg1: memref<64x25600xf32, #tpu.memory_space<vmem>>, %arg2: memref<12800x128xf32, #tpu.memory_space<vmem>>) attributes {dimension_semantics = [#tpu.dimension_semantics<arbitrary>], iteration_bounds = array<i64: 40>, scalar_prefetch = 0 : i64, scratch_operands = 0 : i64, tpu.core_type = #tpu.core_type<tc>, window_params = [{transform_indices = @transform_0, window_bounds = array<i64: 64, 25600>}, {transform_indices = @transform_1, window_bounds = array<i64: 12800, 128>}]} {
    %get3A = arith.constant 0 : index
    %get3A_0 = arith.constant 0 : index
    %get3A_1 = vector.load %arg1[%get3A, %get3A_0] : memref<64x25600xf32, #tpu.memory_space<vmem>>, vector<64x25600xf32>
    %transpose3A = tpu.transpose %get3A_1, [1, 0] : vector<64x25600xf32> -> vector<25600x64xf32>
    %slice3A = vector.extract_strided_slice %transpose3A {offsets = [0, 0], sizes = [12800, 64], strides = [1, 1]} : vector<25600x64xf32> to vector<12800x64xf32>
    %swap3A = arith.constant 0 : index
    %swap3A_2 = arith.constant 0 : index
    %swap3A_3 = vector.load %arg2[%swap3A, %swap3A_2] : memref<12800x128xf32, #tpu.memory_space<vmem>>, vector<12800x64xf32>
    tpu.vector_store %arg2[%swap3A, %swap3A_2], %slice3A {strides = array<i32>} : memref<12800x128xf32, #tpu.memory_space<vmem>>, vector<12800x64xf32>,
    %slice3A_4 = vector.extract_strided_slice %transpose3A {offsets = [12800, 0], sizes = [12800, 64], strides = [1, 1]} : vector<25600x64xf32> to vector<12800x64xf32>
    %swap3A_5 = arith.constant 0 : index
    %swap3A_6 = arith.constant 64 : index
    %swap3A_7 = vector.load %arg2[%swap3A_5, %swap3A_6] : memref<12800x128xf32, #tpu.memory_space<vmem>>, vector<12800x64xf32>
    tpu.vector_store %arg2[%swap3A_5, %swap3A_6], %slice3A_4 {strides = array<i32>} : memref<12800x128xf32, #tpu.memory_space<vmem>>, vector<12800x64xf32>,
    return
  }
  func.func @transform_0(%arg0: i32) -> (i32, i32) {
    %c0_i32 = arith.constant 0 : i32
    %c0_i32_0 = arith.constant 0 : i32
    return %c0_i32, %arg0 : i32, i32
  }
  func.func @transform_1(%arg0: i32) -> (i32, i32) {
    %c0_i32 = arith.constant 0 : i32
    %c0_i32_0 = arith.constant 0 : i32
    return %arg0, %c0_i32 : i32, i32
  }
}

module attributes {stable_mosaic.version = 14 : i64} {
  func.func @body(%arg0: i32, %arg1: memref<6400x128xf32, #tpu.memory_space<vmem>>, %arg2: memref<6400x128xf32, #tpu.memory_space<vmem>>, %arg3: memref<1x1xf32, #tpu.memory_space<smem>>, %arg4: memref<1x64xf32, #tpu.memory_space<vmem>>, %arg5: memref<1x64xf32, #tpu.memory_space<vmem>>, %arg6: memref<12800x64xf32, #tpu.memory_space<vmem>>) attributes {dimension_semantics = [#tpu.dimension_semantics<arbitrary>], iteration_bounds = array<i64: 64>, scalar_prefetch = 0 : i64, scratch_operands = 0 : i64, tpu.core_type = #tpu.core_type<tc>, window_params = [{transform_indices = @transform_0, window_bounds = array<i64: 6400, 128>}, {pipeline_mode = #tpu.pipeline_mode<synchronous>, transform_indices = @transform_1, window_bounds = array<i64: 6400, 128>}, {transform_indices = @transform_2, window_bounds = array<i64: 1, 1>}, {pipeline_mode = #tpu.pipeline_mode<synchronous>, transform_indices = @transform_3, window_bounds = array<i64: 1, 64>}, {pipeline_mode = #tpu.pipeline_mode<synchronous>, transform_indices = @transform_4, window_bounds = array<i64: 1, 64>}, {transform_indices = @transform_5, window_bounds = array<i64: 12800, 64>}]} {
    %get3A = arith.constant 0 : index
    %get3A_0 = arith.constant 0 : index
    %get3A_1 = memref.load %arg3[%get3A, %get3A_0] : memref<1x1xf32, #tpu.memory_space<smem>>
    %get3A_2 = arith.constant 0 : index
    %get3A_3 = arith.constant 0 : index
    %get3A_4 = vector.load %arg4[%get3A_2, %get3A_3] : memref<1x64xf32, #tpu.memory_space<vmem>>, vector<1x64xf32>
    %get3A_5 = arith.constant 0 : index
    %get3A_6 = arith.constant 0 : index
    %get3A_7 = vector.load %arg5[%get3A_5, %get3A_6] : memref<1x64xf32, #tpu.memory_space<vmem>>, vector<1x64xf32>
    %get3A_8 = arith.constant 0 : index
    %get3A_9 = arith.constant 0 : index
    %get3A_10 = vector.load %arg1[%get3A_8, %get3A_9] : memref<6400x128xf32, #tpu.memory_space<vmem>>, vector<6400x128xf32>
    %get3A_11 = arith.constant 0 : index
    %get3A_12 = arith.constant 0 : index
    %get3A_13 = vector.load %arg2[%get3A_11, %get3A_12] : memref<6400x128xf32, #tpu.memory_space<vmem>>, vector<6400x128xf32>
    %add3A = arith.addf %get3A_10, %get3A_13 : vector<6400x128xf32>
    %mul3A = vector.broadcast %get3A_1 : f32 to vector<6400x128xf32>
    %mul3A_14 = arith.mulf %add3A, %mul3A : vector<6400x128xf32>
    %slice3A = vector.extract_strided_slice %mul3A_14 {offsets = [0, 0], sizes = [6400, 64], strides = [1, 1]} : vector<6400x128xf32> to vector<6400x64xf32>
    %reduce_sum3A = arith.constant dense<0.000000e+00> : vector<6400xf32>
    %reduce_sum3A_15 = vector.multi_reduction <add>, %slice3A, %reduce_sum3A [1] : vector<6400x64xf32> to vector<6400xf32>
    %broadcast_in_dim3A = vector.shape_cast %reduce_sum3A_15 : vector<6400xf32> to vector<6400x1xf32>
    %div3A = arith.constant 6.400000e+01 : f32
    %div3A_16 = vector.broadcast %div3A : f32 to vector<6400x1xf32>
    %div3A_17 = arith.divf %broadcast_in_dim3A, %div3A_16 : vector<6400x1xf32>
    %sub3A = vector.broadcast %div3A_17 : vector<6400x1xf32> to vector<6400x64xf32>
    %sub3A_18 = arith.subf %slice3A, %sub3A : vector<6400x64xf32>
    %mul3A_19 = arith.mulf %sub3A_18, %sub3A_18 : vector<6400x64xf32>
    %reduce_sum3A_20 = arith.constant dense<0.000000e+00> : vector<6400xf32>
    %reduce_sum3A_21 = vector.multi_reduction <add>, %mul3A_19, %reduce_sum3A_20 [1] : vector<6400x64xf32> to vector<6400xf32>
    %broadcast_in_dim3A_22 = vector.shape_cast %reduce_sum3A_21 : vector<6400xf32> to vector<6400x1xf32>
    %div3A_23 = arith.constant 6.400000e+01 : f32
    %div3A_24 = vector.broadcast %div3A_23 : f32 to vector<6400x1xf32>
    %div3A_25 = arith.divf %broadcast_in_dim3A_22, %div3A_24 : vector<6400x1xf32>
    %add3A_26 = arith.constant 9.99999997E-7 : f32
    %add3A_27 = vector.broadcast %add3A_26 : f32 to vector<6400x1xf32>
    %add3A_28 = arith.addf %div3A_25, %add3A_27 : vector<6400x1xf32>
    %rsqrt3A = math.rsqrt %add3A_28 : vector<6400x1xf32>
    %mul3A_29 = vector.broadcast %rsqrt3A : vector<6400x1xf32> to vector<6400x64xf32>
    %mul3A_30 = arith.mulf %sub3A_18, %mul3A_29 : vector<6400x64xf32>
    %mul3A_31 = vector.broadcast %get3A_4 : vector<1x64xf32> to vector<6400x64xf32>
    %mul3A_32 = arith.mulf %mul3A_30, %mul3A_31 : vector<6400x64xf32>
    %add3A_33 = vector.broadcast %get3A_7 : vector<1x64xf32> to vector<6400x64xf32>
    %add3A_34 = arith.addf %mul3A_32, %add3A_33 : vector<6400x64xf32>
    %reshape3A = vector.shape_cast %add3A_34 : vector<6400x64xf32> to vector<64x100x64xf32>
    %slice3A_35 = vector.extract_strided_slice %mul3A_14 {offsets = [0, 64], sizes = [6400, 64], strides = [1, 1]} : vector<6400x128xf32> to vector<6400x64xf32>
    %reduce_sum3A_36 = arith.constant dense<0.000000e+00> : vector<6400xf32>
    %reduce_sum3A_37 = vector.multi_reduction <add>, %slice3A_35, %reduce_sum3A_36 [1] : vector<6400x64xf32> to vector<6400xf32>
    %broadcast_in_dim3A_38 = vector.shape_cast %reduce_sum3A_37 : vector<6400xf32> to vector<6400x1xf32>
    %div3A_39 = arith.constant 6.400000e+01 : f32
    %div3A_40 = vector.broadcast %div3A_39 : f32 to vector<6400x1xf32>
    %div3A_41 = arith.divf %broadcast_in_dim3A_38, %div3A_40 : vector<6400x1xf32>
    %sub3A_42 = vector.broadcast %div3A_41 : vector<6400x1xf32> to vector<6400x64xf32>
    %sub3A_43 = arith.subf %slice3A_35, %sub3A_42 : vector<6400x64xf32>
    %mul3A_44 = arith.mulf %sub3A_43, %sub3A_43 : vector<6400x64xf32>
    %reduce_sum3A_45 = arith.constant dense<0.000000e+00> : vector<6400xf32>
    %reduce_sum3A_46 = vector.multi_reduction <add>, %mul3A_44, %reduce_sum3A_45 [1] : vector<6400x64xf32> to vector<6400xf32>
    %broadcast_in_dim3A_47 = vector.shape_cast %reduce_sum3A_46 : vector<6400xf32> to vector<6400x1xf32>
    %div3A_48 = arith.constant 6.400000e+01 : f32
    %div3A_49 = vector.broadcast %div3A_48 : f32 to vector<6400x1xf32>
    %div3A_50 = arith.divf %broadcast_in_dim3A_47, %div3A_49 : vector<6400x1xf32>
    %add3A_51 = arith.constant 9.99999997E-7 : f32
    %add3A_52 = vector.broadcast %add3A_51 : f32 to vector<6400x1xf32>
    %add3A_53 = arith.addf %div3A_50, %add3A_52 : vector<6400x1xf32>
    %rsqrt3A_54 = math.rsqrt %add3A_53 : vector<6400x1xf32>
    %mul3A_55 = vector.broadcast %rsqrt3A_54 : vector<6400x1xf32> to vector<6400x64xf32>
    %mul3A_56 = arith.mulf %sub3A_43, %mul3A_55 : vector<6400x64xf32>
    %mul3A_57 = vector.broadcast %get3A_4 : vector<1x64xf32> to vector<6400x64xf32>
    %mul3A_58 = arith.mulf %mul3A_56, %mul3A_57 : vector<6400x64xf32>
    %add3A_59 = vector.broadcast %get3A_7 : vector<1x64xf32> to vector<6400x64xf32>
    %add3A_60 = arith.addf %mul3A_58, %add3A_59 : vector<6400x64xf32>
    %reshape3A_61 = vector.shape_cast %add3A_60 : vector<6400x64xf32> to vector<64x100x64xf32>
    %concatenate3A = tpu.concatenate %reshape3A, %reshape3A_61 in 1 : vector<64x100x64xf32>, vector<64x100x64xf32> -> vector<64x200x64xf32>
    %reshape3A_62 = vector.shape_cast %concatenate3A : vector<64x200x64xf32> to vector<12800x64xf32>
    %swap3A = arith.constant 0 : index
    %swap3A_63 = arith.constant 0 : index
    %swap3A_64 = vector.load %arg6[%swap3A, %swap3A_63] : memref<12800x64xf32, #tpu.memory_space<vmem>>, vector<12800x64xf32>
    tpu.vector_store %arg6[%swap3A, %swap3A_63], %reshape3A_62 {strides = array<i32>} : memref<12800x64xf32, #tpu.memory_space<vmem>>, vector<12800x64xf32>,
    return
  }
  func.func @transform_0(%arg0: i32) -> (i32, i32) {
    %c0_i32 = arith.constant 0 : i32
    %c0_i32_0 = arith.constant 0 : i32
    return %arg0, %c0_i32 : i32, i32
  }
  func.func @transform_1(%arg0: i32) -> (i32, i32) {
    %c0_i32 = arith.constant 0 : i32
    %c0_i32_0 = arith.constant 0 : i32
    %c0_i32_1 = arith.constant 0 : i32
    return %c0_i32, %c0_i32_0 : i32, i32
  }
  func.func @transform_2(%arg0: i32) -> (i32, i32) {
    %c0_i32 = arith.constant 0 : i32
    %c0_i32_0 = arith.constant 0 : i32
    %c0_i32_1 = arith.constant 0 : i32
    return %c0_i32, %c0_i32_0 : i32, i32
  }
  func.func @transform_3(%arg0: i32) -> (i32, i32) {
    %c0_i32 = arith.constant 0 : i32
    %c0_i32_0 = arith.constant 0 : i32
    %c0_i32_1 = arith.constant 0 : i32
    return %c0_i32, %c0_i32_0 : i32, i32
  }
  func.func @transform_4(%arg0: i32) -> (i32, i32) {
    %c0_i32 = arith.constant 0 : i32
    %c0_i32_0 = arith.constant 0 : i32
    %c0_i32_1 = arith.constant 0 : i32
    return %c0_i32, %c0_i32_0 : i32, i32
  }
  func.func @transform_5(%arg0: i32) -> (i32, i32) {
    %c0_i32 = arith.constant 0 : i32
    %c0_i32_0 = arith.constant 0 : i32
    return %arg0, %c0_i32 : i32, i32
  }
}

</mosaic_0001>

<sc_bundles>
// kernel: kernel.5.cloned.1.call-start
scs
__scs_entry_jumppad:
0x0: {  	(pc) =	sbr.rel $0x88, $3  }
0x1: {  	(tag) =	ssettag $0x0;
	lr =	simm.s32 $0x1  }
0x2: {  	[smem:$0x3F9B] =	sst lr;
	_ =	strace $0xD0000000  }
0x3: {  	_ = 	snop  }
0x4: {  	_ = 	snop  }
0x5: {  	_ = 	snop  }
0x6: {  	_ = 	snop  }
0x7: {  	_ = 	snop  }
__scs_overlays_trampoline_lowered:
0x8: {  	[smem:$0x3FAA] =	sst s0  }
0x9: {  	[smem:$0x3FAB] =	sst s1  }
0xa: {  	[smem:$0x3FAC] =	sst s2  }
0xb: {  	[smem:$0x3FAD] =	sst s3  }
0xc: {  	[smem:$0x3FAE] =	sst s4  }
0xd: {  	[smem:$0x3FAF] =	sst s5  }
0xe: {  	[smem:$0x3FB0] =	sst s6  }
0xf: {  	[smem:$0x3FB1] =	sst s7  }
0x10: {  	[smem:$0x3FB2] =	sst s8  }
0x11: {  	[smem:$0x3FB3] =	sst s9;
	s0 =	simm.s32 @!p0 $0x0  }
0x12: {  	s1 =	sld [smem:$0x3F99];
	s0 =	simm.s32 @p0 $0x1  }
0x13: {  	[smem:$0x3FB4] =	sst s0;
	s0 =	simm.s32 @!p1 $0x0  }
0x14: {  	s2 =	sld [smem:$0x3F98];
	s0 =	simm.s32 @p1 $0x1  }
0x15: {  	[smem:$0x3FB5] =	sst s0;
	s0 =	simm.s32 @!p2 $0x0  }
0x16: {  	s3 =	sld [smem:$0x3FDB];
	s0 =	simm.s32 @p2 $0x1  }
0x17: {  	s4 =	simm.s32 $0x1BF5;
	[smem:$0x3FB7] =	sst s0  }
0x18: {  	s0 =	sld [smem:$0x3F9A];
	_ =	swait.ge [sflag:s4], $0x0  }
0x19: {  	s7 =	sld [smem:$0x3F9B]  }
0x1a: {  	s8 =	sadd.s32 $0xFFFFE003, lr  }
0x1b: {  	s9 =	sadd.s32 $0xFFFFFEF7, lr;
	s5 =	simm.s32 $0xFFFFFFFF;
	p2 =	slt.u32 s8, $0xFFFFF086  }
0x1c: {  	p1 =	slt.u32 s9, $0xF7A;
	s5 =	simm.s32 @!p2 $0x0  }
0x1d: {  	s5 =	simm.s32 @p1 $0x1;
	p0 =	seq.s32 s7, s2  }
0x1e: {  	s7 =	smul.u32 @!p0 $0xF7A, s2;
	p2 =	seq.s32 @!p0 s5, $0x0  }
0x1f: {  	s9 =	smul.u32 $0xF7A, s1;
	s8 =	simm.s32 @!p0 $0x1BF5;
	p2 =	por !p2, p0  }
0x20: {  	[sflag:s8] =	ssyncset.s32 @!p0 $0xFFFFF086;
	s6 =	sadd.s32 @!p0 s3, s7;
	s7 =	simm.s32 @!p0 $0x108  }
0x21: {  	s3 =	sadd.s32 s3, s9;
	s6 =	sadd.s32 @!p0 $0x88, s6;
	s7 =	simm.s32 @p2 $0x1082  }
0x22: {  	[simem:s7], [sflag:s8] =	dma.local @!p0 [hbm:s6], $0xF7A  }
0x23: {  	s9 =	sor.u32 $0xD0000000, s2;
	s6 =	simm.s32 $0x108;
	_ =	swait.ge @!p0 [sflag:s8], $0x0  }
0x24: {  	s3 =	sadd.s32 $0x88, s3;
	s6 =	simm.s32 @!p1 $0x1082;
	[sflag:s4] =	ssyncset.s32 $0xFFFFF086  }
0x25: {  	[simem:s6], [sflag:s4] =	dma.local [hbm:s3], $0xF7A  }
0x26: {  	[smem:$0x3F9B] =	sst s1;
	(tag) =	ssettag s2;
	_ =	strace s9  }
0x27: {  	s1 =	sld [smem:$0x3FAB]  }
0x28: {  	s2 =	sld [smem:$0x3FAC]  }
0x29: {  	s4 =	sld [smem:$0x3FAE]  }
0x2a: {  	p0 =	seq.s32 s5, $0x0;
	s5 =	sld [smem:$0x3FAF]  }
0x2b: {  	s6 =	sld [smem:$0x3FB0]  }
0x2c: {  	s7 =	sld [smem:$0x3FB1]  }
0x2d: {  	s3 =	simm.s32 $0x108;
	s8 =	sld [smem:$0x3FB2]  }
0x2e: {  	s3 =	simm.s32 @!p0 $0x1082;
	s9 =	sld [smem:$0x3FB3]  }
0x2f: {  	lr =	sadd.s32 s0, s3;
	s0 =	sld [smem:$0x3FAA]  }
0x30: {  	s3 =	sld [smem:$0x3FAD]  }
0x31: {  	[smem:$0x3FB6] =	sst s10  }
0x32: {  	s10 =	sld [smem:$0x3FB4];
	_ =	sdelay $0x3  }
0x33: {  	p0 =	seq.s32 s10, $0x1;
	s10 =	sld [smem:$0x3FB6];
	_ =	sdelay $0x3  }
0x34: {  	[smem:$0x3FB6] =	sst s10  }
0x35: {  	s10 =	sld [smem:$0x3FB5];
	_ =	sdelay $0x3  }
0x36: {  	p1 =	seq.s32 s10, $0x1;
	s10 =	sld [smem:$0x3FB6];
	_ =	sdelay $0x3  }
0x37: {  	[smem:$0x3FB6] =	sst s10  }
0x38: {  	s10 =	sld [smem:$0x3FB7]  }
0x39: {  	_ = 	snop;
	(pc) =	sbr.ind lr, $3  }
0x3a: {  	_ = 	snop  }
0x3b: {  	_ = 	snop  }
0x3c: {  	p2 =	seq.s32 s10, $0x1;
	s10 =	sld [smem:$0x3FB6]  }
0x3d: {  	_ =	shalt  }
0x3e: {  	_ =	shalt  }
0x3f: {  	_ =	shalt  }
0x40: {  	_ =	shalt  }
0x41: {  	_ =	shalt  }
0x42: {  	_ =	shalt  }
0x43: {  	_ =	shalt  }
0x44: {  	_ =	shalt  }
0x45: {  	_ =	shalt  }
0x46: {  	_ =	shalt  }
0x47: {  	_ =	shalt  }
0x48: {  	_ =	shalt  }
0x49: {  	_ =	shalt  }
0x4a: {  	_ =	shalt  }
0x4b: {  	_ =	shalt  }
0x4c: {  	_ =	shalt  }
0x4d: {  	_ =	shalt  }
0x4e: {  	_ =	shalt  }
0x4f: {  	_ =	shalt  }
0x50: {  	_ =	shalt  }
0x51: {  	_ =	shalt  }
0x52: {  	_ =	shalt  }
0x53: {  	_ =	shalt  }
0x54: {  	_ =	shalt  }
0x55: {  	_ =	shalt  }
0x56: {  	_ =	shalt  }
0x57: {  	_ =	shalt  }
0x58: {  	_ =	shalt  }
0x59: {  	_ =	shalt  }
0x5a: {  	_ =	shalt  }
0x5b: {  	_ =	shalt  }
0x5c: {  	_ =	shalt  }
0x5d: {  	_ =	shalt  }
0x5e: {  	_ =	shalt  }
0x5f: {  	_ =	shalt  }
0x60: {  	_ =	shalt  }
0x61: {  	_ =	shalt  }
0x62: {  	_ =	shalt  }
0x63: {  	_ =	shalt  }
0x64: {  	_ =	shalt  }
0x65: {  	_ =	shalt  }
0x66: {  	_ =	shalt  }
0x67: {  	_ =	shalt  }
0x68: {  	_ =	shalt  }
0x69: {  	_ =	shalt  }
0x6a: {  	_ =	shalt  }
0x6b: {  	_ =	shalt  }
0x6c: {  	_ =	shalt  }
0x6d: {  	_ =	shalt  }
0x6e: {  	_ =	shalt  }
0x6f: {  	_ =	shalt  }
0x70: {  	_ =	shalt  }
0x71: {  	_ =	shalt  }
0x72: {  	_ =	shalt  }
0x73: {  	_ =	shalt  }
0x74: {  	_ =	shalt  }
0x75: {  	_ =	shalt  }
0x76: {  	_ =	shalt  }
0x77: {  	_ =	shalt  }
0x78: {  	_ =	shalt  }
0x79: {  	_ =	shalt  }
0x7a: {  	_ =	shalt  }
0x7b: {  	_ =	shalt  }
0x7c: {  	_ =	shalt  }
0x7d: {  	_ =	shalt  }
0x7e: {  	_ =	shalt  }
0x7f: {  	_ =	shalt  }
0x80: {  	_ =	shalt  }
0x81: {  	_ =	shalt  }
0x82: {  	_ =	shalt  }
0x83: {  	_ =	shalt  }
0x84: {  	_ =	shalt  }
0x85: {  	_ =	shalt  }
0x86: {  	_ =	shalt  }
0x87: {  	_ =	shalt  }
.Lfunc_end0:
.L_simem_size_0:
called_computation.1_lowered:
.L_overlay_start_0:
0x88: {  	s2 =	sld [smem:$0x3FD9]  }
0x89: {  	s3 =	sld [smem:$0x3FFE];
	_ =	sdelay $0x1  }
0x8a: {  	s1 =	srdreg.scid  }
0x8b: {  	s0 =	sand.u32 $0x1, s1  }
0x8c: {  	s17 =	sshll.u32 s0, $0xA;
	s2 =	sadd.s32 s3, s2  }
0x8d: {  	s2 =	sadd.s32 s2, s17  }
0x8e: {  	[smem:$0x3FC2] =	sst s2  }
0x8f: {  	_ = 	snop  }
0x90: {  	s2 =	sld [smem:$0x3FD0];
	(tm) =	ssettm $0x1  }
0x91: {  	s18 =	sld [smem:$0x3FFB];
	_ =	sdelay $0x3  }
0x92: {  	_ =	strace s18  }
0x93: {  	s3 =	sld [smem:$0x3FFC];
	_ =	sdelay $0x3  }
0x94: {  	_ =	strace s3  }
0x95: {  	s3 =	sld [smem:$0x3FFD];
	_ =	sdelay $0x3  }
0x96: {  	_ =	strace s3  }
0x97: {  	_ =	strace $0x8FFFFFFF  }
0x98: {  	s19 =	sld [smem:$0x3FDB];
	_ =	sdelay $0x1  }
0x99: {  	s4 =	simm.s32 $_scs_section_size  }
0x9a: {  	s5 =	simm.s32 $_size__tile_overlayer_lowered;
	s6 =	simm.s32 $_tile_overlayer_lowered  }
0x9b: {  	s22 =	simm.s32 $0x1BFF;
	s21 =	sshll.u32 s6, $0x1;
	s3 =	sadd.s32 s4, s19  }
0x9c: {  	s7 =	simm.s32 $0x0;
	s20 =	sshll.u32 s5, $0x1;
	s5 =	sadd.s32 s21, s3  }
0x9d: {  	[timem:s7], [sflag:s22] =	dma.local [hbm:s5], s20  }
0x9e: {  	_ =	swait.ge [sflag:s22], s20  }
0x9f: {  	s4 =	ssub.s32 $0x0, s20;
	[sflag:s22] =	ssyncset.done $0x0  }
0xa0: {  	[sflag:s22] =	ssyncadd.s32 s4;
	_ =	sdelay $0x1  }
0xa1: {  	s23 =	simm.s32 $0x1B8B  }
0xa2: {  	_ =	swait.ge [sflag:s23], $0x1  }
0xa3: {  	[sflag:s23] =	ssyncset.done $0x0  }
0xa4: {  	s25 =	simm.s32 $0x1B8E;
	s24 =	sld [smem:$0x3FFE];
	[sflag:s23] =	ssyncadd.s32 $0xFFFFFFFF  }
0xa5: {  	s26 =	simm.s32 $execute0_lowered;
	[smem:$0x3FD2] =	sst s25  }
0xa6: {  	s5 =	sshll.u32 s26, $0x1;
	_ =	strace $0x80000046;
	[dreg:$0x1] =	wrdreg $0xFFFFFFFF  }
0xa7: {  	s28 =	simm.s32 $_size_execute0_lowered;
	s3 =	sadd.s32 s3, s5;
	[dreg:$0x0] =	wrdreg $0x0  }
0xa8: {  	s5 =	sshll.u32 s28, $0x1;
	[dreg:$0x2] =	wrdreg s3  }
0xa9: {  	[dreg:$0x3] =	wrdreg s5  }
0xaa: {  	[dreg:$0x4] =	wrdreg $0xC0  }
0xab: {  	_ =	task [dreg:s7], $0x5FFFF  }
0xac: {  	[dreg:$0x1] =	wrdreg $0xFFFFFFFF  }
0xad: {  	[dreg:$0x0] =	wrdreg $0x60  }
0xae: {  	[dreg:$0x2] =	wrdreg s24  }
0xaf: {  	[dreg:$0x3] =	wrdreg s2  }
0xb0: {  	[dreg:$0x4] =	wrdreg $0x9  }
0xb1: {  	_ =	task.clear_ibuf [dreg:s7], $0x5FFFF;
	_ =	strace $0x90000046  }
0xb2: {  	s29 =	simm.s32 $0x9;
	_ =	strace $0x80000048  }
0xb3: {  	_ =	swait.ge [sflag:s29], $0x1  }
0xb4: {  	[sflag:s29] =	ssyncadd.s32 $0xFFFFFFFF  }
0xb5: {  	_ =	strace $0x90000048  }
0xb6: {  	_ =	sfence  }
0xb7: {  	s30 =	sld [smem:$0x0];
	_ =	sdelay $0x2  }
0xb8: {  	s31 =	sshll.u32 s1, $0xD;
	s1 =	sshrl.u32 s1, $0x2  }
0xb9: {  	s3 =	sand.u32 $0x4000, s31;
	s1 =	sadd.s32 s1, s30  }
0xba: {  	s0 =	sor.u32 s3, s0;
	s1 =	sshll.u32 s1, $0x11  }
0xbb: {  	s0 =	sor.u32 s1, s0  }
0xbc: {  	s0 =	sadd.s32 $0x8F2B, s0  }
0xbd: {  	[sflag:s0] =	ssyncadd.remote.s32 $0x1  }
0xbe: {  	_ =	sfence.sel $0xFFFF  }
0xbf: {  	[dreg:$0x0] =	wrdreg $0xFFFFFFFF;
	(pc) =	sbr.abs _section_cstart, $3  }
0xc0: {  	[dreg:$0x1] =	wrdreg $0xFFFFFFFF  }
0xc1: {  	_ =	task.clear_ibuf [dreg:s7], $0x2FFFF;
	_ =	strace $0x9FFFFFFF  }
0xc2: {  	(tm) =	ssettm $0x7FFFFFFF  }
0xc3: {  	_ =	shalt  }
tec
execute0_lowered:
.L_overlay_start_1:
0x0: {  	(tag) =	ssettag $0x1  }
0x1: {  	s0 =	rddreg [dreg:$0x0]  }
0x2: {  	s1 =	rddreg [dreg:$0x1];
	s2 =	simm.s32 $0x0  }
0x3: {  	s7 =	stileid.u32;
	s3 =	srdreg.scid;
	s10 =	simm.s32 $0x2500  }
0x4: {  	s11 =	simm.s32 $0x100;
	s12 =	simm.s32 $0x4500;
	s13 =	simm.s32 $0x180  }
0x5: {  	s14 =	simm.s32 $0x6500;
	s15 =	simm.s32 $0x200;
	s16 =	simm.s32 $0x8500  }
0x6: {  	s17 =	simm.s32 $0x280;
	s18 =	simm.s32 $0xA500;
	s19 =	simm.s32 $0x300  }
0x7: {  	s20 =	simm.s32 $0xC500;
	s21 =	simm.s32 $0x380;
	s22 =	simm.s32 $0xE500  }
0x8: {  	s23 =	simm.s32 $0x400;
	s24 =	simm.s32 $0x10500;
	s28 =	simm.s32 $0x1  }
0x9: {  	s29 =	simm.s32 $0x0;
	[smem:$0x7FF] =	sst s2;
	s4 =	smul.u32 $0x1900, s7  }
0xa: {  	s5 =	sand.u32 $0x1, s3;
	s7 =	smul.u32 $0x64000, s7;
	s3 =	sadd.s32 $0x699E00, s0  }
0xb: {  	_ =	strace $0x80000047;
	s6 =	ssub.s32 $0x2, s5;
	s9 =	smul.u32 $0xC80, s5  }
0xc: {  	s5 =	smul.u32 $0x32000, s5;
	s8 =	sadd.s32 s4, s0;
	s25 =	sshrl.u32 s6, $0x1  }
0xd: {  	s30 =	sadd.s32 s7, s1;
	s7 =	simm.s32 $0x2;
	s26 =	ssub.s32 s6, s25  }
0xe: {  	s31 =	sadd.s32 s9, s8;
	s5 =	sadd.s32 s5, s30;
	s8 =	simm.s32 $0x80  }
0xf: {  	s9 =	simm.s32 $0x500;
	s25 =	simm.s32 $0x480;
	s0 =	smax.u32 s26, $0x1  }
0x10: {  	s6 =	sadd.s32 $0x680E00, s31;
	s26 =	simm.s32 $0x12500;
	[dreg:$0x3] =	wrdreg s0  }
.LBB2_1:
0x11: {  	s0 =	sadd.s32 $0x0, s6  }
0x12: {  	[tilespmem:s2], [sflag:$0x2] =	stream.linear.gather [hbm4b:s0+s2], $0x500, $0x38;
	[tilespmem:$0x14500] =	vst v63  }
0x13: {  	_ =	swait.ge [sflag:s7], $0x500  }
0x14: {  	[sflag:s7] =	ssyncset.done $0x0  }
0x15: {  	[sflag:s7] =	ssyncadd.s32 $0xFFFFFB00  }
0x16: {  	[tilespmem:s9], [sflag:$0x1] =	stream.indirect.gather [hbm4b:s3+s8], $0x40, s2, s8, $0xb8;
	[tilespmem:$0x14500] =	vst v63  }
0x17: {  	_ = 	snop  }
0x18: {  	[tilespmem:s10], [sflag:$0x1] =	stream.indirect.gather [hbm4b:s3+s8], $0x40, s8, s8, $0xb8;
	[tilespmem:$0x14500] =	vst v63  }
0x19: {  	_ = 	snop  }
0x1a: {  	[tilespmem:s12], [sflag:$0x1] =	stream.indirect.gather [hbm4b:s3+s8], $0x40, s11, s8, $0xb8;
	[tilespmem:$0x14500] =	vst v63  }
0x1b: {  	_ = 	snop  }
0x1c: {  	[tilespmem:s14], [sflag:$0x1] =	stream.indirect.gather [hbm4b:s3+s8], $0x40, s13, s8, $0xb8;
	[tilespmem:$0x14500] =	vst v63  }
0x1d: {  	_ = 	snop  }
0x1e: {  	[tilespmem:s16], [sflag:$0x1] =	stream.indirect.gather [hbm4b:s3+s8], $0x40, s15, s8, $0xb8;
	[tilespmem:$0x14500] =	vst v63  }
0x1f: {  	_ = 	snop  }
0x20: {  	[tilespmem:s18], [sflag:$0x1] =	stream.indirect.gather [hbm4b:s3+s8], $0x40, s17, s8, $0xb8;
	[tilespmem:$0x14500] =	vst v63  }
0x21: {  	_ = 	snop  }
0x22: {  	[tilespmem:s20], [sflag:$0x1] =	stream.indirect.gather [hbm4b:s3+s8], $0x40, s19, s8, $0xb8;
	[tilespmem:$0x14500] =	vst v63  }
0x23: {  	_ = 	snop  }
0x24: {  	[tilespmem:s22], [sflag:$0x1] =	stream.indirect.gather [hbm4b:s3+s8], $0x40, s21, s8, $0xb8;
	[tilespmem:$0x14500] =	vst v63  }
0x25: {  	_ = 	snop  }
0x26: {  	[tilespmem:s24], [sflag:$0x1] =	stream.indirect.gather [hbm4b:s3+s8], $0x40, s23, s8, $0xb8;
	[tilespmem:$0x14500] =	vst v63  }
0x27: {  	_ = 	snop  }
0x28: {  	[tilespmem:s26], [sflag:$0x1] =	stream.indirect.gather [hbm4b:s3+s8], $0x40, s25, s8, $0xb8;
	[tilespmem:$0x14500] =	vst v63  }
0x29: {  	_ =	swait.ge [sflag:s28], $0x2000  }
0x2a: {  	[sflag:s28] =	ssyncset.done $0x0  }
0x2b: {  	[sflag:s28] =	ssyncadd.s32 $0xFFFFE000  }
0x2c: {  	_ =	swait.ge [sflag:s28], $0x2000  }
0x2d: {  	[sflag:s28] =	ssyncset.done $0x0  }
0x2e: {  	[sflag:s28] =	ssyncadd.s32 $0xFFFFE000  }
0x2f: {  	_ =	swait.ge [sflag:s28], $0x2000  }
0x30: {  	[sflag:s28] =	ssyncset.done $0x0  }
0x31: {  	[sflag:s28] =	ssyncadd.s32 $0xFFFFE000  }
0x32: {  	_ =	swait.ge [sflag:s28], $0x2000  }
0x33: {  	[sflag:s28] =	ssyncset.done $0x0  }
0x34: {  	[sflag:s28] =	ssyncadd.s32 $0xFFFFE000  }
0x35: {  	_ =	swait.ge [sflag:s28], $0x2000  }
0x36: {  	[sflag:s28] =	ssyncset.done $0x0  }
0x37: {  	[sflag:s28] =	ssyncadd.s32 $0xFFFFE000  }
0x38: {  	_ =	swait.ge [sflag:s28], $0x2000  }
0x39: {  	[sflag:s28] =	ssyncset.done $0x0  }
0x3a: {  	[sflag:s28] =	ssyncadd.s32 $0xFFFFE000  }
0x3b: {  	_ =	swait.ge [sflag:s28], $0x2000  }
0x3c: {  	[sflag:s28] =	ssyncset.done $0x0  }
0x3d: {  	[sflag:s28] =	ssyncadd.s32 $0xFFFFE000  }
0x3e: {  	_ =	swait.ge [sflag:s28], $0x2000  }
0x3f: {  	[sflag:s28] =	ssyncset.done $0x0  }
0x40: {  	[sflag:s28] =	ssyncadd.s32 $0xFFFFE000  }
0x41: {  	_ =	swait.ge [sflag:s28], $0x2000  }
0x42: {  	[sflag:s28] =	ssyncset.done $0x0  }
0x43: {  	[sflag:s28] =	ssyncadd.s32 $0xFFFFE000  }
0x44: {  	_ =	swait.ge [sflag:s28], $0x2000  }
0x45: {  	[sflag:s28] =	ssyncset.done $0x0  }
0x46: {  	[sflag:s28] =	ssyncadd.s32 $0xFFFFE000  }
0x47: {  	[hbm4b:s5+s2] =	stream.linear.scatter [tilespmem:s9], [sflag:$0x2], $0x14000, $0x38;
	[tilespmem:$0x14500] =	vst v63  }
0x48: {  	s31 =	simm.s32 $0xA0;
	_ =	swait.ge [sflag:s7], $0x14000  }
0x49: {  	s30 =	sadd.s32 $0x2800, s5;
	s0 =	simm.s32 $0x140;
	[sflag:s7] =	ssyncset.done $0x0  }
.LBB2_2:
0x4a: {  	s4 =	sadd.s32 s31, s6  }
0x4b: {  	[sflag:s7] =	ssyncadd.s32 $0xFFFEC000;
	s31 =	smov.u32 s0;
	s1 =	sadd.s32 $0xA0, s0  }
0x4c: {  	[tilespmem:s2], [sflag:$0x2] =	stream.linear.gather [hbm4b:s4+s2], $0x500, $0x38;
	[tilespmem:$0x14500] =	vst v63  }
0x4d: {  	p0 =	sne.s32 s0, $0xBE0;
	_ =	swait.ge [sflag:s7], $0x500  }
0x4e: {  	[sflag:s7] =	ssyncset.done $0x0  }
0x4f: {  	[sflag:s7] =	ssyncadd.s32 $0xFFFFFB00  }
0x50: {  	[tilespmem:s9], [sflag:$0x1] =	stream.indirect.gather [hbm4b:s3+s8], $0x40, s2, s8, $0xb8;
	[tilespmem:$0x14500] =	vst v63  }
0x51: {  	_ = 	snop  }
0x52: {  	[tilespmem:s10], [sflag:$0x1] =	stream.indirect.gather [hbm4b:s3+s8], $0x40, s8, s8, $0xb8;
	[tilespmem:$0x14500] =	vst v63  }
0x53: {  	_ = 	snop  }
0x54: {  	[tilespmem:s12], [sflag:$0x1] =	stream.indirect.gather [hbm4b:s3+s8], $0x40, s11, s8, $0xb8;
	[tilespmem:$0x14500] =	vst v63  }
0x55: {  	_ = 	snop  }
0x56: {  	[tilespmem:s14], [sflag:$0x1] =	stream.indirect.gather [hbm4b:s3+s8], $0x40, s13, s8, $0xb8;
	[tilespmem:$0x14500] =	vst v63  }
0x57: {  	_ = 	snop  }
0x58: {  	[tilespmem:s16], [sflag:$0x1] =	stream.indirect.gather [hbm4b:s3+s8], $0x40, s15, s8, $0xb8;
	[tilespmem:$0x14500] =	vst v63  }
0x59: {  	_ = 	snop  }
0x5a: {  	[tilespmem:s18], [sflag:$0x1] =	stream.indirect.gather [hbm4b:s3+s8], $0x40, s17, s8, $0xb8;
	[tilespmem:$0x14500] =	vst v63  }
0x5b: {  	_ = 	snop  }
0x5c: {  	[tilespmem:s20], [sflag:$0x1] =	stream.indirect.gather [hbm4b:s3+s8], $0x40, s19, s8, $0xb8;
	[tilespmem:$0x14500] =	vst v63  }
0x5d: {  	_ = 	snop  }
0x5e: {  	[tilespmem:s22], [sflag:$0x1] =	stream.indirect.gather [hbm4b:s3+s8], $0x40, s21, s8, $0xb8;
	[tilespmem:$0x14500] =	vst v63  }
0x5f: {  	_ = 	snop  }
0x60: {  	[tilespmem:s24], [sflag:$0x1] =	stream.indirect.gather [hbm4b:s3+s8], $0x40, s23, s8, $0xb8;
	[tilespmem:$0x14500] =	vst v63  }
0x61: {  	_ = 	snop  }
0x62: {  	[tilespmem:s26], [sflag:$0x1] =	stream.indirect.gather [hbm4b:s3+s8], $0x40, s25, s8, $0xb8;
	[tilespmem:$0x14500] =	vst v63  }
0x63: {  	_ =	swait.ge [sflag:s28], $0x2000  }
0x64: {  	[sflag:s28] =	ssyncset.done $0x0  }
0x65: {  	[sflag:s28] =	ssyncadd.s32 $0xFFFFE000  }
0x66: {  	_ =	swait.ge [sflag:s28], $0x2000  }
0x67: {  	[sflag:s28] =	ssyncset.done $0x0  }
0x68: {  	[sflag:s28] =	ssyncadd.s32 $0xFFFFE000  }
0x69: {  	_ =	swait.ge [sflag:s28], $0x2000  }
0x6a: {  	[sflag:s28] =	ssyncset.done $0x0  }
0x6b: {  	[sflag:s28] =	ssyncadd.s32 $0xFFFFE000  }
0x6c: {  	_ =	swait.ge [sflag:s28], $0x2000  }
0x6d: {  	[sflag:s28] =	ssyncset.done $0x0  }
0x6e: {  	[sflag:s28] =	ssyncadd.s32 $0xFFFFE000  }
0x6f: {  	_ =	swait.ge [sflag:s28], $0x2000  }
0x70: {  	[sflag:s28] =	ssyncset.done $0x0  }
0x71: {  	[sflag:s28] =	ssyncadd.s32 $0xFFFFE000  }
0x72: {  	_ =	swait.ge [sflag:s28], $0x2000  }
0x73: {  	[sflag:s28] =	ssyncset.done $0x0  }
0x74: {  	[sflag:s28] =	ssyncadd.s32 $0xFFFFE000  }
0x75: {  	_ =	swait.ge [sflag:s28], $0x2000  }
0x76: {  	[sflag:s28] =	ssyncset.done $0x0  }
0x77: {  	[sflag:s28] =	ssyncadd.s32 $0xFFFFE000  }
0x78: {  	_ =	swait.ge [sflag:s28], $0x2000  }
0x79: {  	[sflag:s28] =	ssyncset.done $0x0  }
0x7a: {  	[sflag:s28] =	ssyncadd.s32 $0xFFFFE000  }
0x7b: {  	_ =	swait.ge [sflag:s28], $0x2000  }
0x7c: {  	[sflag:s28] =	ssyncset.done $0x0  }
0x7d: {  	[sflag:s28] =	ssyncadd.s32 $0xFFFFE000  }
0x7e: {  	_ =	swait.ge [sflag:s28], $0x2000  }
.Ltmp0:
0x7f: {  	[sflag:s28] =	ssyncset.done $0x0;
	(pc) =	sbr.rel @p0 .LBB2_2-.Ltmp0, $4  }
0x80: {  	[sflag:s28] =	ssyncadd.s32 $0xFFFFE000  }
0x81: {  	[hbm4b:s30+s2] =	stream.linear.scatter [tilespmem:s9], [sflag:$0x2], $0x14000, $0x38;
	[tilespmem:$0x14500] =	vst v63  }
0x82: {  	_ =	swait.ge [sflag:s7], $0x14000  }
0x83: {  	s0 =	smov.u32 s1;
	s30 =	sadd.s32 $0x2800, s30;
	[sflag:s7] =	ssyncset.done $0x0  }
0x84: {  	s0 =	sadd.s32 s31, s6;
	[sflag:s7] =	ssyncadd.s32 $0xFFFEC000  }
0x85: {  	[tilespmem:s2], [sflag:$0x2] =	stream.linear.gather [hbm4b:s0+s2], $0x500, $0x38;
	[tilespmem:$0x14500] =	vst v63  }
0x86: {  	_ =	swait.ge [sflag:s7], $0x500  }
0x87: {  	[sflag:s7] =	ssyncset.done $0x0  }
0x88: {  	[sflag:s7] =	ssyncadd.s32 $0xFFFFFB00  }
0x89: {  	[tilespmem:s9], [sflag:$0x1] =	stream.indirect.gather [hbm4b:s3+s8], $0x40, s2, s8, $0xb8;
	[tilespmem:$0x14500] =	vst v63  }
0x8a: {  	_ = 	snop  }
0x8b: {  	[tilespmem:s10], [sflag:$0x1] =	stream.indirect.gather [hbm4b:s3+s8], $0x40, s8, s8, $0xb8;
	[tilespmem:$0x14500] =	vst v63  }
0x8c: {  	_ = 	snop  }
0x8d: {  	[tilespmem:s12], [sflag:$0x1] =	stream.indirect.gather [hbm4b:s3+s8], $0x40, s11, s8, $0xb8;
	[tilespmem:$0x14500] =	vst v63  }
0x8e: {  	_ = 	snop  }
0x8f: {  	[tilespmem:s14], [sflag:$0x1] =	stream.indirect.gather [hbm4b:s3+s8], $0x40, s13, s8, $0xb8;
	[tilespmem:$0x14500] =	vst v63  }
0x90: {  	_ = 	snop  }
0x91: {  	[tilespmem:s16], [sflag:$0x1] =	stream.indirect.gather [hbm4b:s3+s8], $0x40, s15, s8, $0xb8;
	[tilespmem:$0x14500] =	vst v63  }
0x92: {  	_ = 	snop  }
0x93: {  	[tilespmem:s18], [sflag:$0x1] =	stream.indirect.gather [hbm4b:s3+s8], $0x40, s17, s8, $0xb8;
	[tilespmem:$0x14500] =	vst v63  }
0x94: {  	_ = 	snop  }
0x95: {  	[tilespmem:s20], [sflag:$0x1] =	stream.indirect.gather [hbm4b:s3+s8], $0x40, s19, s8, $0xb8;
	[tilespmem:$0x14500] =	vst v63  }
0x96: {  	_ = 	snop  }
0x97: {  	[tilespmem:s22], [sflag:$0x1] =	stream.indirect.gather [hbm4b:s3+s8], $0x40, s21, s8, $0xb8;
	[tilespmem:$0x14500] =	vst v63  }
0x98: {  	_ = 	snop  }
0x99: {  	[tilespmem:s24], [sflag:$0x1] =	stream.indirect.gather [hbm4b:s3+s8], $0x40, s23, s8, $0xb8;
	[tilespmem:$0x14500] =	vst v63  }
0x9a: {  	_ = 	snop  }
0x9b: {  	[tilespmem:s26], [sflag:$0x1] =	stream.indirect.gather [hbm4b:s3+s8], $0x40, s25, s8, $0xb8;
	[tilespmem:$0x14500] =	vst v63  }
0x9c: {  	_ =	swait.ge [sflag:s28], $0x2000  }
0x9d: {  	[sflag:s28] =	ssyncset.done $0x0  }
0x9e: {  	[sflag:s28] =	ssyncadd.s32 $0xFFFFE000  }
0x9f: {  	_ =	swait.ge [sflag:s28], $0x2000  }
0xa0: {  	[sflag:s28] =	ssyncset.done $0x0  }
0xa1: {  	[sflag:s28] =	ssyncadd.s32 $0xFFFFE000  }
0xa2: {  	_ =	swait.ge [sflag:s28], $0x2000  }
0xa3: {  	[sflag:s28] =	ssyncset.done $0x0  }
0xa4: {  	[sflag:s28] =	ssyncadd.s32 $0xFFFFE000  }
0xa5: {  	_ =	swait.ge [sflag:s28], $0x2000  }
0xa6: {  	[sflag:s28] =	ssyncset.done $0x0  }
0xa7: {  	[sflag:s28] =	ssyncadd.s32 $0xFFFFE000  }
0xa8: {  	_ =	swait.ge [sflag:s28], $0x2000  }
0xa9: {  	[sflag:s28] =	ssyncset.done $0x0  }
0xaa: {  	[sflag:s28] =	ssyncadd.s32 $0xFFFFE000  }
0xab: {  	_ =	swait.ge [sflag:s28], $0x2000  }
0xac: {  	[sflag:s28] =	ssyncset.done $0x0  }
0xad: {  	[sflag:s28] =	ssyncadd.s32 $0xFFFFE000  }
0xae: {  	_ =	swait.ge [sflag:s28], $0x2000  }
0xaf: {  	[sflag:s28] =	ssyncset.done $0x0  }
0xb0: {  	[sflag:s28] =	ssyncadd.s32 $0xFFFFE000  }
0xb1: {  	_ =	swait.ge [sflag:s28], $0x2000  }
0xb2: {  	[sflag:s28] =	ssyncset.done $0x0  }
0xb3: {  	[sflag:s28] =	ssyncadd.s32 $0xFFFFE000  }
0xb4: {  	_ =	swait.ge [sflag:s28], $0x2000  }
0xb5: {  	[sflag:s28] =	ssyncset.done $0x0  }
0xb6: {  	[sflag:s28] =	ssyncadd.s32 $0xFFFFE000  }
0xb7: {  	_ =	swait.ge [sflag:s28], $0x2000  }
0xb8: {  	[sflag:s28] =	ssyncset.done $0x0  }
0xb9: {  	[sflag:s28] =	ssyncadd.s32 $0xFFFFE000  }
0xba: {  	[hbm4b:s30+s2] =	stream.linear.scatter [tilespmem:s9], [sflag:$0x2], $0x14000, $0x38;
	[tilespmem:$0x14500] =	vst v63  }
0xbb: {  	_ =	swait.ge [sflag:s7], $0x14000  }
0xbc: {  	s29 =	sadd.s32 $0x1, s29;
	s31 =	rddreg [dreg:$0x3]  }
0xbd: {  	p0 =	sne.s32 s29, s31  }
.Ltmp1:
0xbe: {  	_ = 	snop;
	(pc) =	sbr.rel @p0 .LBB2_1-.Ltmp1, $3  }
0xbf: {  	_ =	sdelay $0x1  }
0xc0: {  	[sflag:s7] =	ssyncset.done $0x0  }
0xc1: {  	[sflag:s7] =	ssyncadd.s32 $0xFFFEC000  }
0xc2: {  	_ =	sfence.sel $0x180000  }
0xc3: {  	[bflag:$0x0] =	sbarrier.arrive $0xFFFF  }
0xc4: {  	_ =	strace $0x90000047  }
0xc5: {  	s0 =	stileid.u32;
	[bflag:$0x2] =	sbarrier.arrive $0xFFFF  }
0xc6: {  	p0 =	sne.s32 s0, $0x0;
	s0 =	rddreg [dreg:$0x2]  }
0xc7: {  	s0 =	sadd.s32 @!p0 $0x100000, s0  }
0xc8: {  	[sflag:s0] =	ssyncadd.tile.s32 @!p0 $0x1;
	_ =	shalt  }
.Lfunc_end2:
_tile_overlayer_lowered:
.L_overlay_start_2:
0xc9: {  	(tag) =	ssettag $0x2  }
0xca: {  	s0 =	rddreg [dreg:$0x0];
	s2 =	stileid.u32  }
0xcb: {  	s1 =	rddreg [dreg:$0x1];
	p0 =	sne.s32 s2, $0x0  }
0xcc: {  	s3 =	rddreg [dreg:$0x2];
	[bflag:$0x3] =	sbarrier.arrive $0xFFFF;
	s2 =	simm.s32 @!p0 $0x1C02  }
0xcd: {  	[timem:s3], [sflag:s2] =	dma.local @!p0 [hbm:s0], s1  }
0xce: {  	s0 =	simm.s32 @!p0 $0x2  }
0xcf: {  	_ =	swait.ge @!p0 [sflag:s0], s1  }
0xd0: {  	s1 =	ssub.s32 @!p0 $0x0, s1;
	[sflag:s0] =	ssyncset.done @!p0 $0x0  }
0xd1: {  	[sflag:s0] =	ssyncadd.s32 @!p0 s1  }
0xd2: {  	[bflag:$0x3] =	sbarrier.arrive $0xFFFF  }
0xd3: {  	_ =	shalt  }

// kernel: sparse-core-data-format-call.cloned.1.call-start
scs
called_computation_lowered:
.L_overlay_start_0:
0x0: {  	s2 =	sld [smem:$0x3FD9]  }
0x1: {  	s3 =	sld [smem:$0x3FFE];
	_ =	sdelay $0x1  }
0x2: {  	s1 =	srdreg.scid  }
0x3: {  	s0 =	sand.u32 $0x1, s1  }
0x4: {  	s18 =	sshll.u32 s0, $0xA;
	s2 =	sadd.s32 s3, s2  }
0x5: {  	s2 =	sadd.s32 s2, s18  }
0x6: {  	[smem:$0x3FC2] =	sst s2  }
0x7: {  	_ = 	snop  }
0x8: {  	s2 =	sld [smem:$0x3FD0];
	(tm) =	ssettm $0x1  }
0x9: {  	s19 =	sld [smem:$0x3FFB];
	_ =	sdelay $0x3  }
0xa: {  	_ =	strace s19  }
0xb: {  	s3 =	sld [smem:$0x3FFC];
	_ =	sdelay $0x3  }
0xc: {  	_ =	strace s3  }
0xd: {  	s3 =	sld [smem:$0x3FFD];
	_ =	sdelay $0x3  }
0xe: {  	_ =	strace s3  }
0xf: {  	_ =	strace $0x8FFFFFFF  }
0x10: {  	s20 =	sld [smem:$0x3FDB];
	_ =	sdelay $0x1  }
0x11: {  	s4 =	simm.s32 $_scs_section_size  }
0x12: {  	s5 =	simm.s32 $_size__tile_overlayer_lowered;
	s6 =	simm.s32 $_tile_overlayer_lowered  }
0x13: {  	s23 =	simm.s32 $0x1BFF;
	s22 =	sshll.u32 s6, $0x1;
	s3 =	sadd.s32 s4, s20  }
0x14: {  	s7 =	simm.s32 $0x0;
	s21 =	sshll.u32 s5, $0x1;
	s5 =	sadd.s32 s22, s3  }
0x15: {  	[timem:s7], [sflag:s23] =	dma.local [hbm:s5], s21  }
0x16: {  	_ =	swait.ge [sflag:s23], s21  }
0x17: {  	s4 =	ssub.s32 $0x0, s21;
	[sflag:s23] =	ssyncset.done $0x0  }
0x18: {  	[sflag:s23] =	ssyncadd.s32 s4;
	_ =	sdelay $0x1  }
0x19: {  	s24 =	simm.s32 $0x1B8B  }
0x1a: {  	_ =	swait.ge [sflag:s24], $0x1  }
0x1b: {  	[sflag:s24] =	ssyncset.done $0x0  }
0x1c: {  	s26 =	simm.s32 $0x1B8E;
	s25 =	sld [smem:$0x3FFE];
	[sflag:s24] =	ssyncadd.s32 $0xFFFFFFFF  }
0x1d: {  	s27 =	simm.s32 $execute0_lowered;
	[smem:$0x3FD2] =	sst s26  }
0x1e: {  	s5 =	sshll.u32 s27, $0x1;
	_ =	strace $0x80000049;
	[dreg:$0x1] =	wrdreg $0xFFFFFFFF  }
0x1f: {  	s28 =	simm.s32 $_size_execute0_lowered;
	s3 =	sadd.s32 s3, s5;
	[dreg:$0x0] =	wrdreg $0x0  }
0x20: {  	s5 =	sshll.u32 s28, $0x1;
	[dreg:$0x2] =	wrdreg s3  }
0x21: {  	[dreg:$0x3] =	wrdreg s5  }
0x22: {  	[dreg:$0x4] =	wrdreg $0xC0  }
0x23: {  	_ =	task [dreg:s7], $0x5FFFF  }
0x24: {  	[dreg:$0x1] =	wrdreg $0xFFFFFFFF  }
0x25: {  	[dreg:$0x0] =	wrdreg $0x60  }
0x26: {  	[dreg:$0x2] =	wrdreg s25  }
0x27: {  	[dreg:$0x3] =	wrdreg s2  }
0x28: {  	[dreg:$0x4] =	wrdreg $0x9  }
0x29: {  	_ =	task.clear_ibuf [dreg:s7], $0x5FFFF;
	_ =	strace $0x90000049  }
0x2a: {  	s29 =	simm.s32 $0x9;
	_ =	strace $0x8000004B  }
0x2b: {  	_ =	swait.ge [sflag:s29], $0x1  }
0x2c: {  	[sflag:s29] =	ssyncadd.s32 $0xFFFFFFFF  }
0x2d: {  	_ =	strace $0x9000004B  }
0x2e: {  	_ =	sfence  }
0x2f: {  	s30 =	sld [smem:$0x0];
	_ =	sdelay $0x2  }
0x30: {  	s31 =	sshll.u32 s1, $0xD;
	s1 =	sshrl.u32 s1, $0x2  }
0x31: {  	s3 =	sand.u32 $0x4000, s31;
	s1 =	sadd.s32 s1, s30  }
0x32: {  	s0 =	sor.u32 s3, s0;
	s1 =	sshll.u32 s1, $0x11  }
0x33: {  	s0 =	sor.u32 s1, s0  }
0x34: {  	s0 =	sadd.s32 $0x8F2B, s0  }
0x35: {  	[sflag:s0] =	ssyncadd.remote.s32 $0x1  }
0x36: {  	_ =	sfence.sel $0xFFFF  }
0x37: {  	[dreg:$0x0] =	wrdreg $0xFFFFFFFF;
	(pc) =	sbr.abs _section_cstart, $3  }
0x38: {  	[dreg:$0x1] =	wrdreg $0xFFFFFFFF  }
0x39: {  	_ =	task.clear_ibuf [dreg:s7], $0x2FFFF;
	_ =	strace $0x9FFFFFFF  }
0x3a: {  	(tm) =	ssettm $0x7FFFFFFF  }
0x3b: {  	_ =	shalt  }
tec
execute0_lowered:
.L_overlay_start_1:
0x0: {  	(tag) =	ssettag $0x1  }
0x1: {  	s0 =	srdreg.scid  }
0x2: {  	s1 =	sshll.u32 s0, $0x4  }
0x3: {  	s0 =	stileid.u32;
	s1 =	sand.u32 $0x10, s1  }
0x4: {  	s1 =	sor.u32 s0, s1  }
0x5: {  	s6 =	rddreg [dreg:$0x0];
	s4 =	simm.s32 $0x1;
	s2 =	sshll.u32 s1, $0x7  }
0x6: {  	s7 =	simm.s32 $0x2;
	s12 =	simm.s32 $0x0;
	s1 =	ssub.s32 $0x1000, s2  }
0x7: {  	s8 =	simm.s32 $0x8000;
	s13 =	simm.s32 $0x0;
	s3 =	sand.u32 $0xF80, s1  }
0x8: {  	s9 =	simm.s32 $0x0;
	s5 =	sshrl.u32 s1, $0xC;
	p0 =	sne.s32 s3, $0x0  }
.Ltmp0:
0x9: {  	s1 =	rddreg [dreg:$0x2];
	s4 =	simm.s32 @!p0 $0x0;
	(pc) =	sbr.rel .LBB1_1-.Ltmp0, $4  }
0xa: {  	s11 =	simm.s32 $0x0;
	s3 =	rddreg [dreg:$0x1];
	s5 =	sadd.s32 s4, s5  }
0xb: {  	_ =	strace $0x8000004A;
	s4 =	simm.s32 $0x1;
	s5 =	smul.u32 $0xC8, s5  }
0xc: {  	s6 =	sadd.s32 $0x1000, s6;
	s10 =	smov.u32 s2;
	[sflag:s4] =	ssyncpa.u1 $0x0  }
0xd: {  	p0 =	por $0x0, $0x0;
	[sflag:s7] =	ssyncpa.u1 $0x0;
	s7 =	sor.u32 $0x1, s5  }
.LBB1_4:
0xe: {  	s16 =	sshll.u32 s13, $0x3;
	s17 =	sand.u32 $0x78, s13  }
0xf: {  	s30 =	sand.u32 $0x7E00, s13;
	s12 =	sshll.u32 s12, $0xF;
	s16 =	sand.u32 $0xC00, s16  }
0x10: {  	[tilespmem:s15+$0x810 ss:$0x81] =	vst.msk $0xffff, v2;
	s31 =	sand.u32 $0x7, s13;
	s16 =	sor.u32 s17, s16;
	s17 =	sadd.s32 s3, s30  }
0x11: {  	[tilespmem:s15+$0x1020 ss:$0x81] =	vst.msk $0xffff, v0;
	s13 =	sshll.u32 s31, $0x12;
	s12 =	sadd.s32 s12, s17;
	s16 =	sshrl.u32 s16, $0x3  }
0x12: {  	[tilespmem:s15+$0x0 ss:$0x81] =	vst.msk $0xffff, v1;
	s13 =	sor.u32 $0x400, s13;
	s12 =	sadd.s32 s16, s12  }
0x13: {  	[hbm4b:s12+s13] =	stream.strided.scatter [tilespmem:s14], [sflag:$0x2], $0x2000, s8, s13, $0x20;
	[tilespmem:$0x8080] =	vst v63  }
.LBB1_5:
0x14: {  	s14 =	sadd.s32 $0x1, s9  }
0x15: {  	s12 =	sadd.s32 $0x1000, s10;
	s16 =	smov.u32 s10;
	p2 =	sgt.s32 s14, $0xC7  }
0x16: {  	s16 =	smov.u32 @p2 s12  }
0x17: {  	s14 =	simm.s32 @p2 $0x0;
	p2 =	sgt.s32 s16, $0xFFF  }
0x18: {  	s16 =	smov.u32 @p2 s2;
	p2 =	sne.s32 s11, s7  }
.Ltmp1:
0x19: {  	p1 =	slt.u32 s11, $0x2;
	(pc) =	sbr.rel @!p2 .LBB1_6-.Ltmp1, $4  }
0x1a: {  	s15 =	simm.s32 @!p1 $0x2  }
0x1b: {  	s13 =	smov.u32 s10;
	p0 =	por !p0, !p0;
	_ =	swait.ge @!p1 [sflag:s15], $0x2000  }
0x1c: {  	s12 =	smov.u32 s9;
	[sflag:s15] =	ssyncset.done @!p1 $0x0;
	s9 =	smov.u32 s14  }
0x1d: {  	s11 =	sadd.s32 $0x1, s11;
	[sflag:s15] =	ssyncadd.s32 @!p1 $0xFFFFE000;
	s10 =	smov.u32 s16  }
.LBB1_1:
0x1e: {  	p1 =	sge.u32 s11, s5  }
0x1f: {  	s14 =	sand.u32 @!p1 $0x1FFFFFF, s9  }
0x20: {  	s15 =	smulhi.u32 @!p1 $0x147AE15, s14;
	_ =	sdelay $0x1  }
0x21: {  	s15 =	smul.u32 @!p1 $0xC8, s15  }
0x22: {  	s16 =	sxor.u32 @!p1 $0xFFFFFFFF, s11;
	s17 =	smul.u32 @!p1 $0xC80, s10  }
0x23: {  	s31 =	sadd.s32 $0xFFFFFFFF, s11;
	s16 =	sshll.u32 @!p1 s16, $0xD;
	s14 =	ssub.s32 @!p1 s14, s15  }
0x24: {  	s15 =	sand.u32 @!p1 $0x2000, s16;
	s16 =	sadd.s32 @!p1 s6, s17;
	s14 =	sshll.u32 @!p1 s14, $0x4  }
0x25: {  	s17 =	simm.s32 @!p1 $0x6400;
	s14 =	sadd.s32 @!p1 s14, s16;
	s16 =	simm.s32 @!p1 $0x40  }
0x26: {  	[tilespmem:s15], [sflag:$0x1] =	stream.strided.gather @!p1 [hbm4b:s14+s16], $0x2000, s17, s16, $0x38;
	[tilespmem:$0x8080] =	vst v63  }
0x27: {  	p1 =	sge.u32 s31, s5  }
.Ltmp2:
0x28: {  	_ = 	snop;
	(pc) =	sbr.rel @p1 .LBB1_5-.Ltmp2, $1  }
0x29: {  	_ =	sdelay $0x3  }
0x2a: {  	s14 =	simm.s32 $0x1  }
0x2b: {  	_ =	swait.ge [sflag:s4], $0x2000;
	s14 =	simm.s32 @!p0 $0x0  }
0x2c: {  	[sflag:s4] =	ssyncset.done $0x0;
	s15 =	sshll.u32 s14, $0xD  }
0x2d: {  	[sflag:s4] =	ssyncadd.s32 $0xFFFFE000;
	s18 =	sor.u32 $0x20, s15  }
0x2e: {  	s14 =	smul.u32 $0x8100, s14;
	v3 =	vld [tilespmem:s18+$0x10]  }
0x2f: {  	s30 =	sand.u32 $0x1, s11;
	v2 =	vld [tilespmem:s18+$0xFFFFFFF0]  }
0x30: {  	s15 =	smul.u32 $0x8100, s30;
	s14 =	sshrl.u32 s14, $0x2;
	v0 =	vld [tilespmem:s18+$0x0]  }
0x31: {  	v1 =	vld [tilespmem:s18+$0xFFFFFFE0];
	s16 =	sor.u32 $0x4000, s14  }
0x32: {  	s31 =	sshrl.u32 s15, $0x2;
	s15 =	sadd.s32 $0x0, s16  }
0x33: {  	s17 =	simm.s32 $0x4;
	s18 =	sadd.s32 $0x40, s18;
	s14 =	sor.u32 $0x4000, s31;
	[tilespmem:s15+$0x1830 ss:$0x81] =	vst.msk $0xffff, v3  }
.LBB1_3:
0x34: {  	v3 =	vld [tilespmem:s18+$0x10];
	p1 =	sne.s32 s17, $0x1FC;
	[tilespmem:s15+$0x810 ss:$0x81] =	vst.msk $0xffff, v2;
	s19 =	smov.u32 s17;
	s17 =	sadd.s32 $0x4, s17  }
.Ltmp3:
0x35: {  	v2 =	vld [tilespmem:s18+$0xFFFFFFF0];
	[tilespmem:s15+$0x1020 ss:$0x81] =	vst.msk $0xffff, v0;
	(pc) =	sbr.rel @p1 .LBB1_3-.Ltmp3, $4  }
0x36: {  	v0 =	vld [tilespmem:s18+$0x0];
	[tilespmem:s15+$0x0 ss:$0x81] =	vst.msk $0xffff, v1  }
0x37: {  	s15 =	sshra.s32 s19, $0x2;
	v1 =	vld [tilespmem:s18+$0xFFFFFFE0]  }
0x38: {  	s15 =	sadd.s32 s15, s16  }
0x39: {  	s18 =	sadd.s32 $0x40, s18;
	[tilespmem:s15+$0x1830 ss:$0x81] =	vst.msk $0xffff, v3  }
.Ltmp4:
0x3a: {  	_ = 	snop;
	(pc) =	sbr.rel .LBB1_4-.Ltmp4, $1  }
0x3b: {  	_ =	sdelay $0x3  }
.LBB1_6:
0x3c: {  	_ =	sfence.sel $0x180000  }
0x3d: {  	s2 =	simm.s32 $0x1;
	[bflag:$0x0] =	sbarrier.arrive $0xFFFF  }
0x3e: {  	s31 =	simm.s32 $0x2;
	[sflag:s2] =	ssyncpa.u1 $0x1  }
0x3f: {  	[sflag:s31] =	ssyncpa.u1 $0x1  }
0x40: {  	p0 =	sne.s32 s0, $0x0;
	_ =	strace $0x9000004A  }
0x41: {  	s0 =	sadd.s32 @!p0 $0x100000, s1;
	[bflag:$0x2] =	sbarrier.arrive $0xFFFF  }
0x42: {  	[sflag:s0] =	ssyncadd.tile.s32 @!p0 $0x1;
	_ =	shalt  }
.Lfunc_end1:
_tile_overlayer_lowered:
.L_overlay_start_2:
0x43: {  	(tag) =	ssettag $0x2  }
0x44: {  	s0 =	rddreg [dreg:$0x0];
	s2 =	stileid.u32  }
0x45: {  	s1 =	rddreg [dreg:$0x1];
	p0 =	sne.s32 s2, $0x0  }
0x46: {  	s3 =	rddreg [dreg:$0x2];
	[bflag:$0x3] =	sbarrier.arrive $0xFFFF;
	s2 =	simm.s32 @!p0 $0x1C01  }
0x47: {  	[timem:s3], [sflag:s2] =	dma.local @!p0 [hbm:s0], s1  }
0x48: {  	s0 =	simm.s32 @!p0 $0x1  }
0x49: {  	_ =	swait.ge @!p0 [sflag:s0], s1  }
0x4a: {  	s1 =	ssub.s32 @!p0 $0x0, s1;
	[sflag:s0] =	ssyncset.done @!p0 $0x0  }
0x4b: {  	[sflag:s0] =	ssyncadd.s32 @!p0 s1  }
0x4c: {  	[bflag:$0x3] =	sbarrier.arrive $0xFFFF  }
0x4d: {  	_ =	shalt  }

</sc_bundles>
